<compile_context>
chip_gen: v7x
topology: tpu7x:2x2x1
jax: 0.10.2.dev20260603
libtpu: 0.0.44.dev20260713+nightly
codegen_flags: <defaults>
</compile_context>

<pallas_src>
import functools

import jax
import jax.numpy as jnp
from jax import lax
from jax.experimental import pallas as pl
from jax.experimental.pallas import tpu as pltpu
from jax.experimental.pallas import tpu_sc as plsc

EMB = 128
CHUNK = 400
IB = 16


def _sc_embedding_lookup(x_flat, table):
    n = x_flat.shape[0]
    n_rows = table.shape[0]
    info = plsc.get_sparse_core_info()
    nw = info.num_cores * info.num_subcores
    per_w = n // nw
    n_iters = per_w // CHUNK
    n_blocks = n_iters // IB
    assert per_w % CHUNK == 0 and n % nw == 0 and n_iters % IB == 0
    assert IB % 2 == 0 and n_blocks % 2 == 0

    mesh = plsc.VectorSubcoreMesh(core_axis_name="c", subcore_axis_name="s")

    @functools.partial(
        pl.kernel,
        mesh=mesh,
        compiler_params=pltpu.CompilerParams(needs_layout_passes=False),
        out_type=jax.ShapeDtypeStruct((n, EMB), jnp.float32),
        scratch_types=[
            pltpu.VMEM_SHARED((n_rows, EMB), jnp.float32),
            pltpu.VMEM((IB * CHUNK,), jnp.int32),
            pltpu.VMEM((IB * CHUNK,), jnp.int32),
            pltpu.VMEM((CHUNK, EMB), jnp.float32),
            pltpu.VMEM((CHUNK, EMB), jnp.float32),
            pltpu.SemaphoreType.DMA,
            pltpu.SemaphoreType.DMA,
            pltpu.SemaphoreType.DMA,
            pltpu.SemaphoreType.DMA,
        ],
    )
    def k(x_hbm, table_hbm, out_hbm, table_v, idx0, idx1, rows0, rows1,
          sem_i0, sem_i1, sem_g, sem_s):
        wid = lax.axis_index("s") * info.num_cores + lax.axis_index("c")
        base = wid * per_w

        @pl.when(lax.axis_index("s") == 0)
        def _():
            pltpu.sync_copy(table_hbm, table_v)

        plsc.subcore_barrier()

        rbufs = (rows0, rows1)
        ibufs = (idx0, idx1)
        isems = (sem_i0, sem_i1)

        pltpu.async_copy(x_hbm.at[pl.ds(base, IB * CHUNK)], idx0, sem_i0)

        def do_block(p, parity, ib, isem):
            b = p * 2 + parity
            blk_start = base + b * IB * CHUNK

            @pl.when(b + 1 < n_blocks)
            def _():
                pltpu.async_copy(
                    x_hbm.at[pl.ds(blk_start + IB * CHUNK, IB * CHUNK)],
                    ibufs[1 - parity],
                    isems[1 - parity],
                )

            pltpu.make_async_copy(
                x_hbm.at[pl.ds(blk_start, IB * CHUNK)], ib, isem
            ).wait()

            for c in range(IB):
                i = b * IB + c
                buf = rbufs[c % 2]
                start = blk_start + c * CHUNK

                pltpu.async_copy(
                    table_v.at[ib.at[pl.ds(c * CHUNK, CHUNK)]], buf, sem_g
                ).wait()

                def drain_prev():
                    pltpu.make_async_copy(
                        rbufs[1 - (c % 2)],
                        out_hbm.at[pl.ds(base, CHUNK)],
                        sem_s,
                    ).wait()

                if c == 0 and parity == 0:
                    pl.when(p > 0)(drain_prev)
                else:
                    drain_prev()

                pltpu.async_copy(buf, out_hbm.at[pl.ds(start, CHUNK)], sem_s)

        def body(p, carry):
            do_block(p, 0, idx0, sem_i0)
            do_block(p, 1, idx1, sem_i1)
            return carry

        lax.fori_loop(0, n_blocks // 2, body, 0)
        pltpu.make_async_copy(
            rbufs[(n_iters - 1) % 2], out_hbm.at[pl.ds(base, CHUNK)], sem_s
        ).wait()

    return k(x_flat, table)


def kernel(x, table):
    b, h = x.shape
    out = _sc_embedding_lookup(x.reshape(b * h), table)
    return out.reshape(b, h, EMB)

# --- scband reference (transcript-rebuilt; emitter-appended) ---
"""Pipeline reference for scband-embedding-69801808494921 (READ-ONLY COPY).

The authoritative reference and input builder live on the scoring server;
editing this copy changes nothing except your own understanding.
"""

import jax, jax.numpy as jnp
import numpy as np

EMB_DIM = 128
BLANK_ID = 128  # blank_id == embeddings_dim, the only configuration where the torch init code is bug-free
BATCH = 16384
HIST = 200

def _build_table():
    # nn.Embedding(EMB_DIM + 1, EMB_DIM, padding_idx=BLANK_ID): row BLANK_ID is zeros.
    # weight[:BLANK_ID] = eye(EMB_DIM)[:BLANK_ID]; rows above BLANK_ID are empty here since BLANK_ID == EMB_DIM.
    eye = jnp.eye(EMB_DIM, dtype=jnp.float32)
    table = jnp.zeros((EMB_DIM + 1, EMB_DIM), dtype=jnp.float32)
    table = table.at[:BLANK_ID].set(eye[:BLANK_ID])
    return table

def setup_inputs(seed: int = 0) -> dict:
    key = jax.random.key(seed)
    x = jax.random.randint(key, (BATCH, HIST), 0, EMB_DIM + 1, dtype=jnp.int32)
    table = _build_table()
    return {"x": x, "table": table}

def reference(x, table):
    # Embedding lookup: out = table[x]
    return jnp.take(table, x, axis=0)

if __name__ == "__main__":
    import jax
    _d = setup_inputs()
    print(jax.jit(kernel)(*tuple(_d.values())))

</pallas_src>

<mosaic_0001>
#map = affine_map<(d0, d1) -> (0)>
#map1 = affine_map<(d0, d1) -> (0, 0)>
module attributes {stable_mosaic.version = 14 : i64} {
  func.func @k(%arg0: i32, %arg1: i32, %arg2: memref<3276800xi32, #tpu.memory_space<hbm>>, %arg3: memref<129x128xf32, #tpu.memory_space<hbm>>, %arg4: memref<3276800x128xf32, #tpu.memory_space<hbm>>, %arg5: memref<129x128xf32, #tpu.memory_space<vmem_shared>>, %arg6: memref<6400xi32, #tpu.memory_space<vmem>>, %arg7: memref<6400xi32, #tpu.memory_space<vmem>>, %arg8: memref<400x128xf32, #tpu.memory_space<vmem>>, %arg9: memref<400x128xf32, #tpu.memory_space<vmem>>, %arg10: memref<!tpu.dma_semaphore, #tpu.memory_space<semaphore_mem>>, %arg11: memref<!tpu.dma_semaphore, #tpu.memory_space<semaphore_mem>>, %arg12: memref<!tpu.dma_semaphore, #tpu.memory_space<semaphore_mem>>, %arg13: memref<!tpu.dma_semaphore, #tpu.memory_space<semaphore_mem>>) attributes {dimension_semantics = [#tpu.dimension_semantics<core_parallel>, #tpu.dimension_semantics<subcore_parallel>], iteration_bounds = array<i64: 2, 16>, scalar_prefetch = 0 : i64, scratch_operands = 9 : i64, tpu.core_type = #tpu.core_type<sc_vector_subcore>, window_params = [{transform_indices = #map}, {transform_indices = #map1}, {transform_indices = #map1}]} {
    %mul3A = arith.constant 2 : i32
    %mul3A_0 = arith.muli %arg1, %mul3A : i32
    %add3A = arith.addi %mul3A_0, %arg0 : i32
    %mul3A_1 = arith.constant 102400 : i32
    %mul3A_2 = arith.muli %add3A, %mul3A_1 : i32
    %eq3A = arith.constant 0 : i32
    %eq3A_3 = arith.cmpi eq, %arg1, %eq3A : i32
    %convert_element_type3A = arith.extui %eq3A_3 : i1 to i32
    %cond3A = arith.constant 0 : i32
    %cond3A_4 = arith.cmpi ne, %convert_element_type3A, %cond3A : i32
    scf.if %cond3A_4 {
      "tpu.region"() ({
        %run_scoped3A = tpu.sem_alloc : memref<!tpu.dma_semaphore, #tpu.memory_space<semaphore_mem>>
        tpu.enqueue_dma source(%arg3 : memref<129x128xf32, #tpu.memory_space<hbm>>) target(%arg5 : memref<129x128xf32, #tpu.memory_space<vmem_shared>>) target_semaphore(%run_scoped3A : memref<!tpu.dma_semaphore, #tpu.memory_space<semaphore_mem>>)
        tpu.wait_dma2 semaphore(%run_scoped3A : memref<!tpu.dma_semaphore, #tpu.memory_space<semaphore_mem>>) src(%arg3 : memref<129x128xf32, #tpu.memory_space<hbm>>) dst(%arg5 : memref<129x128xf32, #tpu.memory_space<vmem_shared>>)
        tpu.yield
      }) : () -> ()
    } else {
    }
    %barrier3A = arith.constant 0 : index
    tpu.barrier barrier_id(%barrier3A)
    %dma_start3A = tpu.memref_slice %arg2[%mul3A_2] : memref<3276800xi32, #tpu.memory_space<hbm>> -> memref<6400xi32, #tpu.memory_space<hbm>>
    %dma_start3A_5 = tpu.memref_slice %arg2[%mul3A_2] : memref<3276800xi32, #tpu.memory_space<hbm>> -> memref<6400xi32, #tpu.memory_space<hbm>>
    tpu.enqueue_dma source(%dma_start3A_5 : memref<6400xi32, #tpu.memory_space<hbm>>) target(%arg6 : memref<6400xi32, #tpu.memory_space<vmem>>) target_semaphore(%arg10 : memref<!tpu.dma_semaphore, #tpu.memory_space<semaphore_mem>>)
    %scan3A = arith.constant 0 : i32
    %scan3A_6 = arith.constant 0 : i32
    %scan3A_7 = arith.constant 8 : i32
    %scan3A_8 = arith.addi %scan3A_6, %scan3A_7 : i32
    %scan3A_9 = arith.constant 1 : i32
    scf.for %scan3A_14 = %scan3A_6 to %scan3A_8 step %scan3A_9  : i32 {
      %mul3A_15 = arith.constant 2 : i32
      %mul3A_16 = arith.muli %scan3A_14, %mul3A_15 : i32
      %add3A_17 = arith.constant 0 : i32
      %add3A_18 = arith.addi %mul3A_16, %add3A_17 : i32
      %mul3A_19 = arith.constant 16 : i32
      %mul3A_20 = arith.muli %add3A_18, %mul3A_19 : i32
      %mul3A_21 = arith.constant 400 : i32
      %mul3A_22 = arith.muli %mul3A_20, %mul3A_21 : i32
      %add3A_23 = arith.addi %mul3A_2, %mul3A_22 : i32
      %add3A_24 = arith.constant 1 : i32
      %add3A_25 = arith.addi %add3A_18, %add3A_24 : i32
      %lt3A = arith.constant 16 : i32
      %lt3A_26 = arith.cmpi slt, %add3A_25, %lt3A : i32
      %convert_element_type3A_27 = arith.extui %lt3A_26 : i1 to i32
      %cond3A_28 = arith.constant 0 : i32
      %cond3A_29 = arith.cmpi ne, %convert_element_type3A_27, %cond3A_28 : i32
      scf.if %cond3A_29 {
        %add3A_818 = arith.constant 6400 : i32
        %add3A_819 = arith.addi %add3A_23, %add3A_818 : i32
        %dma_start3A_820 = tpu.memref_slice %arg2[%add3A_819] : memref<3276800xi32, #tpu.memory_space<hbm>> -> memref<6400xi32, #tpu.memory_space<hbm>>
        %dma_start3A_821 = tpu.memref_slice %arg2[%add3A_819] : memref<3276800xi32, #tpu.memory_space<hbm>> -> memref<6400xi32, #tpu.memory_space<hbm>>
        tpu.enqueue_dma source(%dma_start3A_821 : memref<6400xi32, #tpu.memory_space<hbm>>) target(%arg7 : memref<6400xi32, #tpu.memory_space<vmem>>) target_semaphore(%arg11 : memref<!tpu.dma_semaphore, #tpu.memory_space<semaphore_mem>>)
      } else {
      }
      %dma_wait3A_30 = tpu.memref_slice %arg2[%add3A_23] : memref<3276800xi32, #tpu.memory_space<hbm>> -> memref<6400xi32, #tpu.memory_space<hbm>>
      %dma_wait3A_31 = tpu.memref_slice %arg2[%add3A_23] : memref<3276800xi32, #tpu.memory_space<hbm>> -> memref<6400xi32, #tpu.memory_space<hbm>>
      tpu.wait_dma2 semaphore(%arg10 : memref<!tpu.dma_semaphore, #tpu.memory_space<semaphore_mem>>) src(%dma_wait3A_31 : memref<6400xi32, #tpu.memory_space<hbm>>) dst(%arg6 : memref<6400xi32, #tpu.memory_space<vmem>>)
      %mul3A_32 = arith.constant 16 : i32
      %mul3A_33 = arith.muli %add3A_18, %mul3A_32 : i32
      %add3A_34 = arith.constant 0 : i32
      %add3A_35 = arith.addi %mul3A_33, %add3A_34 : i32
      %add3A_36 = arith.constant 0 : i32
      %add3A_37 = arith.addi %add3A_23, %add3A_36 : i32
      %dma_start3A_38 = arith.constant 0 : i32
      %dma_start3A_39 = tpu.memref_slice %arg6[%dma_start3A_38] : memref<6400xi32, #tpu.memory_space<vmem>> -> memref<400xi32, #tpu.memory_space<vmem>>
      %dma_start3A_40 = arith.constant 0 : i32
      %dma_start3A_41 = arith.constant 0 : i32
      %dma_start3A_42 = tpu.memref_slice %arg5[%dma_start3A_40, %dma_start3A_41] : memref<129x128xf32, #tpu.memory_space<vmem_shared>> -> memref<129x128xf32, #tpu.memory_space<vmem_shared>>
      tpu.enqueue_indirect_dma source(%dma_start3A_42 : memref<129x128xf32, #tpu.memory_space<vmem_shared>>) target(%arg8 : memref<400x128xf32, #tpu.memory_space<vmem>>) offsets(%dma_start3A_39 : memref<400xi32, #tpu.memory_space<vmem>>) semaphore(%arg12 : memref<!tpu.dma_semaphore, #tpu.memory_space<semaphore_mem>>)
      %dma_wait3A_43 = arith.constant 0 : i32
      %dma_wait3A_44 = tpu.memref_slice %arg6[%dma_wait3A_43] : memref<6400xi32, #tpu.memory_space<vmem>> -> memref<400xi32, #tpu.memory_space<vmem>>
      %dma_wait3A_45 = arith.constant 0 : i32
      %dma_wait3A_46 = arith.constant 0 : i32
      %dma_wait3A_47 = tpu.memref_slice %arg5[%dma_wait3A_45, %dma_wait3A_46] : memref<129x128xf32, #tpu.memory_space<vmem_shared>> -> memref<129x128xf32, #tpu.memory_space<vmem_shared>>
      tpu.wait_indirect_dma semaphore(%arg12 : memref<!tpu.dma_semaphore, #tpu.memory_space<semaphore_mem>>) src(%dma_wait3A_47 : memref<129x128xf32, #tpu.memory_space<vmem_shared>>) dst(%arg8 : memref<400x128xf32, #tpu.memory_space<vmem>>)
      %gt3A = arith.constant 0 : i32
      %gt3A_48 = arith.cmpi sgt, %scan3A_14, %gt3A : i32
      %convert_element_type3A_49 = arith.extui %gt3A_48 : i1 to i32
      %cond3A_50 = arith.constant 0 : i32
      %cond3A_51 = arith.cmpi ne, %convert_element_type3A_49, %cond3A_50 : i32
      scf.if %cond3A_51 {
        %dma_wait3A_818 = arith.constant 0 : i32
        %dma_wait3A_819 = tpu.memref_slice %arg4[%mul3A_2, %dma_wait3A_818] : memref<3276800x128xf32, #tpu.memory_space<hbm>> -> memref<400x128xf32, #tpu.memory_space<hbm>>
        %dma_wait3A_820 = arith.constant 0 : i32
        %dma_wait3A_821 = tpu.memref_slice %arg4[%mul3A_2, %dma_wait3A_820] : memref<3276800x128xf32, #tpu.memory_space<hbm>> -> memref<400x128xf32, #tpu.memory_space<hbm>>
        tpu.wait_dma2 semaphore(%arg13 : memref<!tpu.dma_semaphore, #tpu.memory_space<semaphore_mem>>) src(%arg9 : memref<400x128xf32, #tpu.memory_space<vmem>>) dst(%dma_wait3A_821 : memref<400x128xf32, #tpu.memory_space<hbm>>)
      } else {
      }
      %dma_start3A_52 = arith.constant 0 : i32
      %dma_start3A_53 = tpu.memref_slice %arg4[%add3A_37, %dma_start3A_52] : memref<3276800x128xf32, #tpu.memory_space<hbm>> -> memref<400x128xf32, #tpu.memory_space<hbm>>
      %dma_start3A_54 = arith.constant 0 : i32
      %dma_start3A_55 = tpu.memref_slice %arg4[%add3A_37, %dma_start3A_54] : memref<3276800x128xf32, #tpu.memory_space<hbm>> -> memref<400x128xf32, #tpu.memory_space<hbm>>
      tpu.enqueue_dma source(%arg8 : memref<400x128xf32, #tpu.memory_space<vmem>>) target(%dma_start3A_55 : memref<400x128xf32, #tpu.memory_space<hbm>>) target_semaphore(%arg13 : memref<!tpu.dma_semaphore, #tpu.memory_space<semaphore_mem>>)
      %mul3A_56 = arith.constant 16 : i32
      %mul3A_57 = arith.muli %add3A_18, %mul3A_56 : i32
      %add3A_58 = arith.constant 1 : i32
      %add3A_59 = arith.addi %mul3A_57, %add3A_58 : i32
      %add3A_60 = arith.constant 400 : i32
      %add3A_61 = arith.addi %add3A_23, %add3A_60 : i32
      %dma_start3A_62 = arith.constant 400 : i32
      %dma_start3A_63 = tpu.memref_slice %arg6[%dma_start3A_62] : memref<6400xi32, #tpu.memory_space<vmem>> -> memref<400xi32, #tpu.memory_space<vmem>>
      %dma_start3A_64 = arith.constant 0 : i32
      %dma_start3A_65 = arith.constant 0 : i32
      %dma_start3A_66 = tpu.memref_slice %arg5[%dma_start3A_64, %dma_start3A_65] : memref<129x128xf32, #tpu.memory_space<vmem_shared>> -> memref<129x128xf32, #tpu.memory_space<vmem_shared>>
      tpu.enqueue_indirect_dma source(%dma_start3A_66 : memref<129x128xf32, #tpu.memory_space<vmem_shared>>) target(%arg9 : memref<400x128xf32, #tpu.memory_space<vmem>>) offsets(%dma_start3A_63 : memref<400xi32, #tpu.memory_space<vmem>>) semaphore(%arg12 : memref<!tpu.dma_semaphore, #tpu.memory_space<semaphore_mem>>)
      %dma_wait3A_67 = arith.constant 400 : i32
      %dma_wait3A_68 = tpu.memref_slice %arg6[%dma_wait3A_67] : memref<6400xi32, #tpu.memory_space<vmem>> -> memref<400xi32, #tpu.memory_space<vmem>>
      %dma_wait3A_69 = arith.constant 0 : i32
      %dma_wait3A_70 = arith.constant 0 : i32
      %dma_wait3A_71 = tpu.memref_slice %arg5[%dma_wait3A_69, %dma_wait3A_70] : memref<129x128xf32, #tpu.memory_space<vmem_shared>> -> memref<129x128xf32, #tpu.memory_space<vmem_shared>>
      tpu.wait_indirect_dma semaphore(%arg12 : memref<!tpu.dma_semaphore, #tpu.memory_space<semaphore_mem>>) src(%dma_wait3A_71 : memref<129x128xf32, #tpu.memory_space<vmem_shared>>) dst(%arg9 : memref<400x128xf32, #tpu.memory_space<vmem>>)
      %dma_wait3A_72 = arith.constant 0 : i32
      %dma_wait3A_73 = tpu.memref_slice %arg4[%mul3A_2, %dma_wait3A_72] : memref<3276800x128xf32, #tpu.memory_space<hbm>> -> memref<400x128xf32, #tpu.memory_space<hbm>>
      %dma_wait3A_74 = arith.constant 0 : i32
      %dma_wait3A_75 = tpu.memref_slice %arg4[%mul3A_2, %dma_wait3A_74] : memref<3276800x128xf32, #tpu.memory_space<hbm>> -> memref<400x128xf32, #tpu.memory_space<hbm>>
      tpu.wait_dma2 semaphore(%arg13 : memref<!tpu.dma_semaphore, #tpu.memory_space<semaphore_mem>>) src(%arg8 : memref<400x128xf32, #tpu.memory_space<vmem>>) dst(%dma_wait3A_75 : memref<400x128xf32, #tpu.memory_space<hbm>>)
      %dma_start3A_76 = arith.constant 0 : i32
      %dma_start3A_77 = tpu.memref_slice %arg4[%add3A_61, %dma_start3A_76] : memref<3276800x128xf32, #tpu.memory_space<hbm>> -> memref<400x128xf32, #tpu.memory_space<hbm>>
      %dma_start3A_78 = arith.constant 0 : i32
      %dma_start3A_79 = tpu.memref_slice %arg4[%add3A_61, %dma_start3A_78] : memref<3276800x128xf32, #tpu.memory_space<hbm>> -> memref<400x128xf32, #tpu.memory_space<hbm>>
      tpu.enqueue_dma source(%arg9 : memref<400x128xf32, #tpu.memory_space<vmem>>) target(%dma_start3A_79 : memref<400x128xf32, #tpu.memory_space<hbm>>) target_semaphore(%arg13 : memref<!tpu.dma_semaphore, #tpu.memory_space<semaphore_mem>>)
      %mul3A_80 = arith.constant 16 : i32
      %mul3A_81 = arith.muli %add3A_18, %mul3A_80 : i32
      %add3A_82 = arith.constant 2 : i32
      %add3A_83 = arith.addi %mul3A_81, %add3A_82 : i32
      %add3A_84 = arith.constant 800 : i32
      %add3A_85 = arith.addi %add3A_23, %add3A_84 : i32
      %dma_start3A_86 = arith.constant 800 : i32
      %dma_start3A_87 = tpu.memref_slice %arg6[%dma_start3A_86] : memref<6400xi32, #tpu.memory_space<vmem>> -> memref<400xi32, #tpu.memory_space<vmem>>
      %dma_start3A_88 = arith.constant 0 : i32
      %dma_start3A_89 = arith.constant 0 : i32
      %dma_start3A_90 = tpu.memref_slice %arg5[%dma_start3A_88, %dma_start3A_89] : memref<129x128xf32, #tpu.memory_space<vmem_shared>> -> memref<129x128xf32, #tpu.memory_space<vmem_shared>>
      tpu.enqueue_indirect_dma source(%dma_start3A_90 : memref<129x128xf32, #tpu.memory_space<vmem_shared>>) target(%arg8 : memref<400x128xf32, #tpu.memory_space<vmem>>) offsets(%dma_start3A_87 : memref<400xi32, #tpu.memory_space<vmem>>) semaphore(%arg12 : memref<!tpu.dma_semaphore, #tpu.memory_space<semaphore_mem>>)
      %dma_wait3A_91 = arith.constant 800 : i32
      %dma_wait3A_92 = tpu.memref_slice %arg6[%dma_wait3A_91] : memref<6400xi32, #tpu.memory_space<vmem>> -> memref<400xi32, #tpu.memory_space<vmem>>
      %dma_wait3A_93 = arith.constant 0 : i32
      %dma_wait3A_94 = arith.constant 0 : i32
      %dma_wait3A_95 = tpu.memref_slice %arg5[%dma_wait3A_93, %dma_wait3A_94] : memref<129x128xf32, #tpu.memory_space<vmem_shared>> -> memref<129x128xf32, #tpu.memory_space<vmem_shared>>
      tpu.wait_indirect_dma semaphore(%arg12 : memref<!tpu.dma_semaphore, #tpu.memory_space<semaphore_mem>>) src(%dma_wait3A_95 : memref<129x128xf32, #tpu.memory_space<vmem_shared>>) dst(%arg8 : memref<400x128xf32, #tpu.memory_space<vmem>>)
      %dma_wait3A_96 = arith.constant 0 : i32
      %dma_wait3A_97 = tpu.memref_slice %arg4[%mul3A_2, %dma_wait3A_96] : memref<3276800x128xf32, #tpu.memory_space<hbm>> -> memref<400x128xf32, #tpu.memory_space<hbm>>
      %dma_wait3A_98 = arith.constant 0 : i32
      %dma_wait3A_99 = tpu.memref_slice %arg4[%mul3A_2, %dma_wait3A_98] : memref<3276800x128xf32, #tpu.memory_space<hbm>> -> memref<400x128xf32, #tpu.memory_space<hbm>>
      tpu.wait_dma2 semaphore(%arg13 : memref<!tpu.dma_semaphore, #tpu.memory_space<semaphore_mem>>) src(%arg9 : memref<400x128xf32, #tpu.memory_space<vmem>>) dst(%dma_wait3A_99 : memref<400x128xf32, #tpu.memory_space<hbm>>)
      %dma_start3A_100 = arith.constant 0 : i32
      %dma_start3A_101 = tpu.memref_slice %arg4[%add3A_85, %dma_start3A_100] : memref<3276800x128xf32, #tpu.memory_space<hbm>> -> memref<400x128xf32, #tpu.memory_space<hbm>>
      %dma_start3A_102 = arith.constant 0 : i32
      %dma_start3A_103 = tpu.memref_slice %arg4[%add3A_85, %dma_start3A_102] : memref<3276800x128xf32, #tpu.memory_space<hbm>> -> memref<400x128xf32, #tpu.memory_space<hbm>>
      tpu.enqueue_dma source(%arg8 : memref<400x128xf32, #tpu.memory_space<vmem>>) target(%dma_start3A_103 : memref<400x128xf32, #tpu.memory_space<hbm>>) target_semaphore(%arg13 : memref<!tpu.dma_semaphore, #tpu.memory_space<semaphore_mem>>)
      %mul3A_104 = arith.constant 16 : i32
      %mul3A_105 = arith.muli %add3A_18, %mul3A_104 : i32
      %add3A_106 = arith.constant 3 : i32
      %add3A_107 = arith.addi %mul3A_105, %add3A_106 : i32
      %add3A_108 = arith.constant 1200 : i32
      %add3A_109 = arith.addi %add3A_23, %add3A_108 : i32
      %dma_start3A_110 = arith.constant 1200 : i32
      %dma_start3A_111 = tpu.memref_slice %arg6[%dma_start3A_110] : memref<6400xi32, #tpu.memory_space<vmem>> -> memref<400xi32, #tpu.memory_space<vmem>>
      %dma_start3A_112 = arith.constant 0 : i32
      %dma_start3A_113 = arith.constant 0 : i32
      %dma_start3A_114 = tpu.memref_slice %arg5[%dma_start3A_112, %dma_start3A_113] : memref<129x128xf32, #tpu.memory_space<vmem_shared>> -> memref<129x128xf32, #tpu.memory_space<vmem_shared>>
      tpu.enqueue_indirect_dma source(%dma_start3A_114 : memref<129x128xf32, #tpu.memory_space<vmem_shared>>) target(%arg9 : memref<400x128xf32, #tpu.memory_space<vmem>>) offsets(%dma_start3A_111 : memref<400xi32, #tpu.memory_space<vmem>>) semaphore(%arg12 : memref<!tpu.dma_semaphore, #tpu.memory_space<semaphore_mem>>)
      %dma_wait3A_115 = arith.constant 1200 : i32
      %dma_wait3A_116 = tpu.memref_slice %arg6[%dma_wait3A_115] : memref<6400xi32, #tpu.memory_space<vmem>> -> memref<400xi32, #tpu.memory_space<vmem>>
      %dma_wait3A_117 = arith.constant 0 : i32
      %dma_wait3A_118 = arith.constant 0 : i32
      %dma_wait3A_119 = tpu.memref_slice %arg5[%dma_wait3A_117, %dma_wait3A_118] : memref<129x128xf32, #tpu.memory_space<vmem_shared>> -> memref<129x128xf32, #tpu.memory_space<vmem_shared>>
      tpu.wait_indirect_dma semaphore(%arg12 : memref<!tpu.dma_semaphore, #tpu.memory_space<semaphore_mem>>) src(%dma_wait3A_119 : memref<129x128xf32, #tpu.memory_space<vmem_shared>>) dst(%arg9 : memref<400x128xf32, #tpu.memory_space<vmem>>)
      %dma_wait3A_120 = arith.constant 0 : i32
      %dma_wait3A_121 = tpu.memref_slice %arg4[%mul3A_2, %dma_wait3A_120] : memref<3276800x128xf32, #tpu.memory_space<hbm>> -> memref<400x128xf32, #tpu.memory_space<hbm>>
      %dma_wait3A_122 = arith.constant 0 : i32
      %dma_wait3A_123 = tpu.memref_slice %arg4[%mul3A_2, %dma_wait3A_122] : memref<3276800x128xf32, #tpu.memory_space<hbm>> -> memref<400x128xf32, #tpu.memory_space<hbm>>
      tpu.wait_dma2 semaphore(%arg13 : memref<!tpu.dma_semaphore, #tpu.memory_space<semaphore_mem>>) src(%arg8 : memref<400x128xf32, #tpu.memory_space<vmem>>) dst(%dma_wait3A_123 : memref<400x128xf32, #tpu.memory_space<hbm>>)
      %dma_start3A_124 = arith.constant 0 : i32
      %dma_start3A_125 = tpu.memref_slice %arg4[%add3A_109, %dma_start3A_124] : memref<3276800x128xf32, #tpu.memory_space<hbm>> -> memref<400x128xf32, #tpu.memory_space<hbm>>
      %dma_start3A_126 = arith.constant 0 : i32
      %dma_start3A_127 = tpu.memref_slice %arg4[%add3A_109, %dma_start3A_126] : memref<3276800x128xf32, #tpu.memory_space<hbm>> -> memref<400x128xf32, #tpu.memory_space<hbm>>
      tpu.enqueue_dma source(%arg9 : memref<400x128xf32, #tpu.memory_space<vmem>>) target(%dma_start3A_127 : memref<400x128xf32, #tpu.memory_space<hbm>>) target_semaphore(%arg13 : memref<!tpu.dma_semaphore, #tpu.memory_space<semaphore_mem>>)
      %mul3A_128 = arith.constant 16 : i32
      %mul3A_129 = arith.muli %add3A_18, %mul3A_128 : i32
      %add3A_130 = arith.constant 4 : i32
      %add3A_131 = arith.addi %mul3A_129, %add3A_130 : i32
      %add3A_132 = arith.constant 1600 : i32
      %add3A_133 = arith.addi %add3A_23, %add3A_132 : i32
      %dma_start3A_134 = arith.constant 1600 : i32
      %dma_start3A_135 = tpu.memref_slice %arg6[%dma_start3A_134] : memref<6400xi32, #tpu.memory_space<vmem>> -> memref<400xi32, #tpu.memory_space<vmem>>
      %dma_start3A_136 = arith.constant 0 : i32
      %dma_start3A_137 = arith.constant 0 : i32
      %dma_start3A_138 = tpu.memref_slice %arg5[%dma_start3A_136, %dma_start3A_137] : memref<129x128xf32, #tpu.memory_space<vmem_shared>> -> memref<129x128xf32, #tpu.memory_space<vmem_shared>>
      tpu.enqueue_indirect_dma source(%dma_start3A_138 : memref<129x128xf32, #tpu.memory_space<vmem_shared>>) target(%arg8 : memref<400x128xf32, #tpu.memory_space<vmem>>) offsets(%dma_start3A_135 : memref<400xi32, #tpu.memory_space<vmem>>) semaphore(%arg12 : memref<!tpu.dma_semaphore, #tpu.memory_space<semaphore_mem>>)
      %dma_wait3A_139 = arith.constant 1600 : i32
      %dma_wait3A_140 = tpu.memref_slice %arg6[%dma_wait3A_139] : memref<6400xi32, #tpu.memory_space<vmem>> -> memref<400xi32, #tpu.memory_space<vmem>>
      %dma_wait3A_141 = arith.constant 0 : i32
      %dma_wait3A_142 = arith.constant 0 : i32
      %dma_wait3A_143 = tpu.memref_slice %arg5[%dma_wait3A_141, %dma_wait3A_142] : memref<129x128xf32, #tpu.memory_space<vmem_shared>> -> memref<129x128xf32, #tpu.memory_space<vmem_shared>>
      tpu.wait_indirect_dma semaphore(%arg12 : memref<!tpu.dma_semaphore, #tpu.memory_space<semaphore_mem>>) src(%dma_wait3A_143 : memref<129x128xf32, #tpu.memory_space<vmem_shared>>) dst(%arg8 : memref<400x128xf32, #tpu.memory_space<vmem>>)
      %dma_wait3A_144 = arith.constant 0 : i32
      %dma_wait3A_145 = tpu.memref_slice %arg4[%mul3A_2, %dma_wait3A_144] : memref<3276800x128xf32, #tpu.memory_space<hbm>> -> memref<400x128xf32, #tpu.memory_space<hbm>>
      %dma_wait3A_146 = arith.constant 0 : i32
      %dma_wait3A_147 = tpu.memref_slice %arg4[%mul3A_2, %dma_wait3A_146] : memref<3276800x128xf32, #tpu.memory_space<hbm>> -> memref<400x128xf32, #tpu.memory_space<hbm>>
      tpu.wait_dma2 semaphore(%arg13 : memref<!tpu.dma_semaphore, #tpu.memory_space<semaphore_mem>>) src(%arg9 : memref<400x128xf32, #tpu.memory_space<vmem>>) dst(%dma_wait3A_147 : memref<400x128xf32, #tpu.memory_space<hbm>>)
      %dma_start3A_148 = arith.constant 0 : i32
      %dma_start3A_149 = tpu.memref_slice %arg4[%add3A_133, %dma_start3A_148] : memref<3276800x128xf32, #tpu.memory_space<hbm>> -> memref<400x128xf32, #tpu.memory_space<hbm>>
      %dma_start3A_150 = arith.constant 0 : i32
      %dma_start3A_151 = tpu.memref_slice %arg4[%add3A_133, %dma_start3A_150] : memref<3276800x128xf32, #tpu.memory_space<hbm>> -> memref<400x128xf32, #tpu.memory_space<hbm>>
      tpu.enqueue_dma source(%arg8 : memref<400x128xf32, #tpu.memory_space<vmem>>) target(%dma_start3A_151 : memref<400x128xf32, #tpu.memory_space<hbm>>) target_semaphore(%arg13 : memref<!tpu.dma_semaphore, #tpu.memory_space<semaphore_mem>>)
      %mul3A_152 = arith.constant 16 : i32
      %mul3A_153 = arith.muli %add3A_18, %mul3A_152 : i32
      %add3A_154 = arith.constant 5 : i32
      %add3A_155 = arith.addi %mul3A_153, %add3A_154 : i32
      %add3A_156 = arith.constant 2000 : i32
      %add3A_157 = arith.addi %add3A_23, %add3A_156 : i32
      %dma_start3A_158 = arith.constant 2000 : i32
      %dma_start3A_159 = tpu.memref_slice %arg6[%dma_start3A_158] : memref<6400xi32, #tpu.memory_space<vmem>> -> memref<400xi32, #tpu.memory_space<vmem>>
      %dma_start3A_160 = arith.constant 0 : i32
      %dma_start3A_161 = arith.constant 0 : i32
      %dma_start3A_162 = tpu.memref_slice %arg5[%dma_start3A_160, %dma_start3A_161] : memref<129x128xf32, #tpu.memory_space<vmem_shared>> -> memref<129x128xf32, #tpu.memory_space<vmem_shared>>
      tpu.enqueue_indirect_dma source(%dma_start3A_162 : memref<129x128xf32, #tpu.memory_space<vmem_shared>>) target(%arg9 : memref<400x128xf32, #tpu.memory_space<vmem>>) offsets(%dma_start3A_159 : memref<400xi32, #tpu.memory_space<vmem>>) semaphore(%arg12 : memref<!tpu.dma_semaphore, #tpu.memory_space<semaphore_mem>>)
      %dma_wait3A_163 = arith.constant 2000 : i32
      %dma_wait3A_164 = tpu.memref_slice %arg6[%dma_wait3A_163] : memref<6400xi32, #tpu.memory_space<vmem>> -> memref<400xi32, #tpu.memory_space<vmem>>
      %dma_wait3A_165 = arith.constant 0 : i32
      %dma_wait3A_166 = arith.constant 0 : i32
      %dma_wait3A_167 = tpu.memref_slice %arg5[%dma_wait3A_165, %dma_wait3A_166] : memref<129x128xf32, #tpu.memory_space<vmem_shared>> -> memref<129x128xf32, #tpu.memory_space<vmem_shared>>
      tpu.wait_indirect_dma semaphore(%arg12 : memref<!tpu.dma_semaphore, #tpu.memory_space<semaphore_mem>>) src(%dma_wait3A_167 : memref<129x128xf32, #tpu.memory_space<vmem_shared>>) dst(%arg9 : memref<400x128xf32, #tpu.memory_space<vmem>>)
      %dma_wait3A_168 = arith.constant 0 : i32
      %dma_wait3A_169 = tpu.memref_slice %arg4[%mul3A_2, %dma_wait3A_168] : memref<3276800x128xf32, #tpu.memory_space<hbm>> -> memref<400x128xf32, #tpu.memory_space<hbm>>
      %dma_wait3A_170 = arith.constant 0 : i32
      %dma_wait3A_171 = tpu.memref_slice %arg4[%mul3A_2, %dma_wait3A_170] : memref<3276800x128xf32, #tpu.memory_space<hbm>> -> memref<400x128xf32, #tpu.memory_space<hbm>>
      tpu.wait_dma2 semaphore(%arg13 : memref<!tpu.dma_semaphore, #tpu.memory_space<semaphore_mem>>) src(%arg8 : memref<400x128xf32, #tpu.memory_space<vmem>>) dst(%dma_wait3A_171 : memref<400x128xf32, #tpu.memory_space<hbm>>)
      %dma_start3A_172 = arith.constant 0 : i32
      %dma_start3A_173 = tpu.memref_slice %arg4[%add3A_157, %dma_start3A_172] : memref<3276800x128xf32, #tpu.memory_space<hbm>> -> memref<400x128xf32, #tpu.memory_space<hbm>>
      %dma_start3A_174 = arith.constant 0 : i32
      %dma_start3A_175 = tpu.memref_slice %arg4[%add3A_157, %dma_start3A_174] : memref<3276800x128xf32, #tpu.memory_space<hbm>> -> memref<400x128xf32, #tpu.memory_space<hbm>>
      tpu.enqueue_dma source(%arg9 : memref<400x128xf32, #tpu.memory_space<vmem>>) target(%dma_start3A_175 : memref<400x128xf32, #tpu.memory_space<hbm>>) target_semaphore(%arg13 : memref<!tpu.dma_semaphore, #tpu.memory_space<semaphore_mem>>)
      %mul3A_176 = arith.constant 16 : i32
      %mul3A_177 = arith.muli %add3A_18, %mul3A_176 : i32
      %add3A_178 = arith.constant 6 : i32
      %add3A_179 = arith.addi %mul3A_177, %add3A_178 : i32
      %add3A_180 = arith.constant 2400 : i32
      %add3A_181 = arith.addi %add3A_23, %add3A_180 : i32
      %dma_start3A_182 = arith.constant 2400 : i32
      %dma_start3A_183 = tpu.memref_slice %arg6[%dma_start3A_182] : memref<6400xi32, #tpu.memory_space<vmem>> -> memref<400xi32, #tpu.memory_space<vmem>>
      %dma_start3A_184 = arith.constant 0 : i32
      %dma_start3A_185 = arith.constant 0 : i32
      %dma_start3A_186 = tpu.memref_slice %arg5[%dma_start3A_184, %dma_start3A_185] : memref<129x128xf32, #tpu.memory_space<vmem_shared>> -> memref<129x128xf32, #tpu.memory_space<vmem_shared>>
      tpu.enqueue_indirect_dma source(%dma_start3A_186 : memref<129x128xf32, #tpu.memory_space<vmem_shared>>) target(%arg8 : memref<400x128xf32, #tpu.memory_space<vmem>>) offsets(%dma_start3A_183 : memref<400xi32, #tpu.memory_space<vmem>>) semaphore(%arg12 : memref<!tpu.dma_semaphore, #tpu.memory_space<semaphore_mem>>)
      %dma_wait3A_187 = arith.constant 2400 : i32
      %dma_wait3A_188 = tpu.memref_slice %arg6[%dma_wait3A_187] : memref<6400xi32, #tpu.memory_space<vmem>> -> memref<400xi32, #tpu.memory_space<vmem>>
      %dma_wait3A_189 = arith.constant 0 : i32
      %dma_wait3A_190 = arith.constant 0 : i32
      %dma_wait3A_191 = tpu.memref_slice %arg5[%dma_wait3A_189, %dma_wait3A_190] : memref<129x128xf32, #tpu.memory_space<vmem_shared>> -> memref<129x128xf32, #tpu.memory_space<vmem_shared>>
      tpu.wait_indirect_dma semaphore(%arg12 : memref<!tpu.dma_semaphore, #tpu.memory_space<semaphore_mem>>) src(%dma_wait3A_191 : memref<129x128xf32, #tpu.memory_space<vmem_shared>>) dst(%arg8 : memref<400x128xf32, #tpu.memory_space<vmem>>)
      %dma_wait3A_192 = arith.constant 0 : i32
      %dma_wait3A_193 = tpu.memref_slice %arg4[%mul3A_2, %dma_wait3A_192] : memref<3276800x128xf32, #tpu.memory_space<hbm>> -> memref<400x128xf32, #tpu.memory_space<hbm>>
      %dma_wait3A_194 = arith.constant 0 : i32
      %dma_wait3A_195 = tpu.memref_slice %arg4[%mul3A_2, %dma_wait3A_194] : memref<3276800x128xf32, #tpu.memory_space<hbm>> -> memref<400x128xf32, #tpu.memory_space<hbm>>
      tpu.wait_dma2 semaphore(%arg13 : memref<!tpu.dma_semaphore, #tpu.memory_space<semaphore_mem>>) src(%arg9 : memref<400x128xf32, #tpu.memory_space<vmem>>) dst(%dma_wait3A_195 : memref<400x128xf32, #tpu.memory_space<hbm>>)
      %dma_start3A_196 = arith.constant 0 : i32
      %dma_start3A_197 = tpu.memref_slice %arg4[%add3A_181, %dma_start3A_196] : memref<3276800x128xf32, #tpu.memory_space<hbm>> -> memref<400x128xf32, #tpu.memory_space<hbm>>
      %dma_start3A_198 = arith.constant 0 : i32
      %dma_start3A_199 = tpu.memref_slice %arg4[%add3A_181, %dma_start3A_198] : memref<3276800x128xf32, #tpu.memory_space<hbm>> -> memref<400x128xf32, #tpu.memory_space<hbm>>
      tpu.enqueue_dma source(%arg8 : memref<400x128xf32, #tpu.memory_space<vmem>>) target(%dma_start3A_199 : memref<400x128xf32, #tpu.memory_space<hbm>>) target_semaphore(%arg13 : memref<!tpu.dma_semaphore, #tpu.memory_space<semaphore_mem>>)
      %mul3A_200 = arith.constant 16 : i32
      %mul3A_201 = arith.muli %add3A_18, %mul3A_200 : i32
      %add3A_202 = arith.constant 7 : i32
      %add3A_203 = arith.addi %mul3A_201, %add3A_202 : i32
      %add3A_204 = arith.constant 2800 : i32
      %add3A_205 = arith.addi %add3A_23, %add3A_204 : i32
      %dma_start3A_206 = arith.constant 2800 : i32
      %dma_start3A_207 = tpu.memref_slice %arg6[%dma_start3A_206] : memref<6400xi32, #tpu.memory_space<vmem>> -> memref<400xi32, #tpu.memory_space<vmem>>
      %dma_start3A_208 = arith.constant 0 : i32
      %dma_start3A_209 = arith.constant 0 : i32
      %dma_start3A_210 = tpu.memref_slice %arg5[%dma_start3A_208, %dma_start3A_209] : memref<129x128xf32, #tpu.memory_space<vmem_shared>> -> memref<129x128xf32, #tpu.memory_space<vmem_shared>>
      tpu.enqueue_indirect_dma source(%dma_start3A_210 : memref<129x128xf32, #tpu.memory_space<vmem_shared>>) target(%arg9 : memref<400x128xf32, #tpu.memory_space<vmem>>) offsets(%dma_start3A_207 : memref<400xi32, #tpu.memory_space<vmem>>) semaphore(%arg12 : memref<!tpu.dma_semaphore, #tpu.memory_space<semaphore_mem>>)
      %dma_wait3A_211 = arith.constant 2800 : i32
      %dma_wait3A_212 = tpu.memref_slice %arg6[%dma_wait3A_211] : memref<6400xi32, #tpu.memory_space<vmem>> -> memref<400xi32, #tpu.memory_space<vmem>>
      %dma_wait3A_213 = arith.constant 0 : i32
      %dma_wait3A_214 = arith.constant 0 : i32
      %dma_wait3A_215 = tpu.memref_slice %arg5[%dma_wait3A_213, %dma_wait3A_214] : memref<129x128xf32, #tpu.memory_space<vmem_shared>> -> memref<129x128xf32, #tpu.memory_space<vmem_shared>>
      tpu.wait_indirect_dma semaphore(%arg12 : memref<!tpu.dma_semaphore, #tpu.memory_space<semaphore_mem>>) src(%dma_wait3A_215 : memref<129x128xf32, #tpu.memory_space<vmem_shared>>) dst(%arg9 : memref<400x128xf32, #tpu.memory_space<vmem>>)
      %dma_wait3A_216 = arith.constant 0 : i32
      %dma_wait3A_217 = tpu.memref_slice %arg4[%mul3A_2, %dma_wait3A_216] : memref<3276800x128xf32, #tpu.memory_space<hbm>> -> memref<400x128xf32, #tpu.memory_space<hbm>>
      %dma_wait3A_218 = arith.constant 0 : i32
      %dma_wait3A_219 = tpu.memref_slice %arg4[%mul3A_2, %dma_wait3A_218] : memref<3276800x128xf32, #tpu.memory_space<hbm>> -> memref<400x128xf32, #tpu.memory_space<hbm>>
      tpu.wait_dma2 semaphore(%arg13 : memref<!tpu.dma_semaphore, #tpu.memory_space<semaphore_mem>>) src(%arg8 : memref<400x128xf32, #tpu.memory_space<vmem>>) dst(%dma_wait3A_219 : memref<400x128xf32, #tpu.memory_space<hbm>>)
      %dma_start3A_220 = arith.constant 0 : i32
      %dma_start3A_221 = tpu.memref_slice %arg4[%add3A_205, %dma_start3A_220] : memref<3276800x128xf32, #tpu.memory_space<hbm>> -> memref<400x128xf32, #tpu.memory_space<hbm>>
      %dma_start3A_222 = arith.constant 0 : i32
      %dma_start3A_223 = tpu.memref_slice %arg4[%add3A_205, %dma_start3A_222] : memref<3276800x128xf32, #tpu.memory_space<hbm>> -> memref<400x128xf32, #tpu.memory_space<hbm>>
      tpu.enqueue_dma source(%arg9 : memref<400x128xf32, #tpu.memory_space<vmem>>) target(%dma_start3A_223 : memref<400x128xf32, #tpu.memory_space<hbm>>) target_semaphore(%arg13 : memref<!tpu.dma_semaphore, #tpu.memory_space<semaphore_mem>>)
      %mul3A_224 = arith.constant 16 : i32
      %mul3A_225 = arith.muli %add3A_18, %mul3A_224 : i32
      %add3A_226 = arith.constant 8 : i32
      %add3A_227 = arith.addi %mul3A_225, %add3A_226 : i32
      %add3A_228 = arith.constant 3200 : i32
      %add3A_229 = arith.addi %add3A_23, %add3A_228 : i32
      %dma_start3A_230 = arith.constant 3200 : i32
      %dma_start3A_231 = tpu.memref_slice %arg6[%dma_start3A_230] : memref<6400xi32, #tpu.memory_space<vmem>> -> memref<400xi32, #tpu.memory_space<vmem>>
      %dma_start3A_232 = arith.constant 0 : i32
      %dma_start3A_233 = arith.constant 0 : i32
      %dma_start3A_234 = tpu.memref_slice %arg5[%dma_start3A_232, %dma_start3A_233] : memref<129x128xf32, #tpu.memory_space<vmem_shared>> -> memref<129x128xf32, #tpu.memory_space<vmem_shared>>
      tpu.enqueue_indirect_dma source(%dma_start3A_234 : memref<129x128xf32, #tpu.memory_space<vmem_shared>>) target(%arg8 : memref<400x128xf32, #tpu.memory_space<vmem>>) offsets(%dma_start3A_231 : memref<400xi32, #tpu.memory_space<vmem>>) semaphore(%arg12 : memref<!tpu.dma_semaphore, #tpu.memory_space<semaphore_mem>>)
      %dma_wait3A_235 = arith.constant 3200 : i32
      %dma_wait3A_236 = tpu.memref_slice %arg6[%dma_wait3A_235] : memref<6400xi32, #tpu.memory_space<vmem>> -> memref<400xi32, #tpu.memory_space<vmem>>
      %dma_wait3A_237 = arith.constant 0 : i32
      %dma_wait3A_238 = arith.constant 0 : i32
      %dma_wait3A_239 = tpu.memref_slice %arg5[%dma_wait3A_237, %dma_wait3A_238] : memref<129x128xf32, #tpu.memory_space<vmem_shared>> -> memref<129x128xf32, #tpu.memory_space<vmem_shared>>
      tpu.wait_indirect_dma semaphore(%arg12 : memref<!tpu.dma_semaphore, #tpu.memory_space<semaphore_mem>>) src(%dma_wait3A_239 : memref<129x128xf32, #tpu.memory_space<vmem_shared>>) dst(%arg8 : memref<400x128xf32, #tpu.memory_space<vmem>>)
      %dma_wait3A_240 = arith.constant 0 : i32
      %dma_wait3A_241 = tpu.memref_slice %arg4[%mul3A_2, %dma_wait3A_240] : memref<3276800x128xf32, #tpu.memory_space<hbm>> -> memref<400x128xf32, #tpu.memory_space<hbm>>
      %dma_wait3A_242 = arith.constant 0 : i32
      %dma_wait3A_243 = tpu.memref_slice %arg4[%mul3A_2, %dma_wait3A_242] : memref<3276800x128xf32, #tpu.memory_space<hbm>> -> memref<400x128xf32, #tpu.memory_space<hbm>>
      tpu.wait_dma2 semaphore(%arg13 : memref<!tpu.dma_semaphore, #tpu.memory_space<semaphore_mem>>) src(%arg9 : memref<400x128xf32, #tpu.memory_space<vmem>>) dst(%dma_wait3A_243 : memref<400x128xf32, #tpu.memory_space<hbm>>)
      %dma_start3A_244 = arith.constant 0 : i32
      %dma_start3A_245 = tpu.memref_slice %arg4[%add3A_229, %dma_start3A_244] : memref<3276800x128xf32, #tpu.memory_space<hbm>> -> memref<400x128xf32, #tpu.memory_space<hbm>>
      %dma_start3A_246 = arith.constant 0 : i32
      %dma_start3A_247 = tpu.memref_slice %arg4[%add3A_229, %dma_start3A_246] : memref<3276800x128xf32, #tpu.memory_space<hbm>> -> memref<400x128xf32, #tpu.memory_space<hbm>>
      tpu.enqueue_dma source(%arg8 : memref<400x128xf32, #tpu.memory_space<vmem>>) target(%dma_start3A_247 : memref<400x128xf32, #tpu.memory_space<hbm>>) target_semaphore(%arg13 : memref<!tpu.dma_semaphore, #tpu.memory_space<semaphore_mem>>)
      %mul3A_248 = arith.constant 16 : i32
      %mul3A_249 = arith.muli %add3A_18, %mul3A_248 : i32
      %add3A_250 = arith.constant 9 : i32
      %add3A_251 = arith.addi %mul3A_249, %add3A_250 : i32
      %add3A_252 = arith.constant 3600 : i32
      %add3A_253 = arith.addi %add3A_23, %add3A_252 : i32
      %dma_start3A_254 = arith.constant 3600 : i32
      %dma_start3A_255 = tpu.memref_slice %arg6[%dma_start3A_254] : memref<6400xi32, #tpu.memory_space<vmem>> -> memref<400xi32, #tpu.memory_space<vmem>>
      %dma_start3A_256 = arith.constant 0 : i32
      %dma_start3A_257 = arith.constant 0 : i32
      %dma_start3A_258 = tpu.memref_slice %arg5[%dma_start3A_256, %dma_start3A_257] : memref<129x128xf32, #tpu.memory_space<vmem_shared>> -> memref<129x128xf32, #tpu.memory_space<vmem_shared>>
      tpu.enqueue_indirect_dma source(%dma_start3A_258 : memref<129x128xf32, #tpu.memory_space<vmem_shared>>) target(%arg9 : memref<400x128xf32, #tpu.memory_space<vmem>>) offsets(%dma_start3A_255 : memref<400xi32, #tpu.memory_space<vmem>>) semaphore(%arg12 : memref<!tpu.dma_semaphore, #tpu.memory_space<semaphore_mem>>)
      %dma_wait3A_259 = arith.constant 3600 : i32
      %dma_wait3A_260 = tpu.memref_slice %arg6[%dma_wait3A_259] : memref<6400xi32, #tpu.memory_space<vmem>> -> memref<400xi32, #tpu.memory_space<vmem>>
      %dma_wait3A_261 = arith.constant 0 : i32
      %dma_wait3A_262 = arith.constant 0 : i32
      %dma_wait3A_263 = tpu.memref_slice %arg5[%dma_wait3A_261, %dma_wait3A_262] : memref<129x128xf32, #tpu.memory_space<vmem_shared>> -> memref<129x128xf32, #tpu.memory_space<vmem_shared>>
      tpu.wait_indirect_dma semaphore(%arg12 : memref<!tpu.dma_semaphore, #tpu.memory_space<semaphore_mem>>) src(%dma_wait3A_263 : memref<129x128xf32, #tpu.memory_space<vmem_shared>>) dst(%arg9 : memref<400x128xf32, #tpu.memory_space<vmem>>)
      %dma_wait3A_264 = arith.constant 0 : i32
      %dma_wait3A_265 = tpu.memref_slice %arg4[%mul3A_2, %dma_wait3A_264] : memref<3276800x128xf32, #tpu.memory_space<hbm>> -> memref<400x128xf32, #tpu.memory_space<hbm>>
      %dma_wait3A_266 = arith.constant 0 : i32
      %dma_wait3A_267 = tpu.memref_slice %arg4[%mul3A_2, %dma_wait3A_266] : memref<3276800x128xf32, #tpu.memory_space<hbm>> -> memref<400x128xf32, #tpu.memory_space<hbm>>
      tpu.wait_dma2 semaphore(%arg13 : memref<!tpu.dma_semaphore, #tpu.memory_space<semaphore_mem>>) src(%arg8 : memref<400x128xf32, #tpu.memory_space<vmem>>) dst(%dma_wait3A_267 : memref<400x128xf32, #tpu.memory_space<hbm>>)
      %dma_start3A_268 = arith.constant 0 : i32
      %dma_start3A_269 = tpu.memref_slice %arg4[%add3A_253, %dma_start3A_268] : memref<3276800x128xf32, #tpu.memory_space<hbm>> -> memref<400x128xf32, #tpu.memory_space<hbm>>
      %dma_start3A_270 = arith.constant 0 : i32
      %dma_start3A_271 = tpu.memref_slice %arg4[%add3A_253, %dma_start3A_270] : memref<3276800x128xf32, #tpu.memory_space<hbm>> -> memref<400x128xf32, #tpu.memory_space<hbm>>
      tpu.enqueue_dma source(%arg9 : memref<400x128xf32, #tpu.memory_space<vmem>>) target(%dma_start3A_271 : memref<400x128xf32, #tpu.memory_space<hbm>>) target_semaphore(%arg13 : memref<!tpu.dma_semaphore, #tpu.memory_space<semaphore_mem>>)
      %mul3A_272 = arith.constant 16 : i32
      %mul3A_273 = arith.muli %add3A_18, %mul3A_272 : i32
      %add3A_274 = arith.constant 10 : i32
      %add3A_275 = arith.addi %mul3A_273, %add3A_274 : i32
      %add3A_276 = arith.constant 4000 : i32
      %add3A_277 = arith.addi %add3A_23, %add3A_276 : i32
      %dma_start3A_278 = arith.constant 4000 : i32
      %dma_start3A_279 = tpu.memref_slice %arg6[%dma_start3A_278] : memref<6400xi32, #tpu.memory_space<vmem>> -> memref<400xi32, #tpu.memory_space<vmem>>
      %dma_start3A_280 = arith.constant 0 : i32
      %dma_start3A_281 = arith.constant 0 : i32
      %dma_start3A_282 = tpu.memref_slice %arg5[%dma_start3A_280, %dma_start3A_281] : memref<129x128xf32, #tpu.memory_space<vmem_shared>> -> memref<129x128xf32, #tpu.memory_space<vmem_shared>>
      tpu.enqueue_indirect_dma source(%dma_start3A_282 : memref<129x128xf32, #tpu.memory_space<vmem_shared>>) target(%arg8 : memref<400x128xf32, #tpu.memory_space<vmem>>) offsets(%dma_start3A_279 : memref<400xi32, #tpu.memory_space<vmem>>) semaphore(%arg12 : memref<!tpu.dma_semaphore, #tpu.memory_space<semaphore_mem>>)
      %dma_wait3A_283 = arith.constant 4000 : i32
      %dma_wait3A_284 = tpu.memref_slice %arg6[%dma_wait3A_283] : memref<6400xi32, #tpu.memory_space<vmem>> -> memref<400xi32, #tpu.memory_space<vmem>>
      %dma_wait3A_285 = arith.constant 0 : i32
      %dma_wait3A_286 = arith.constant 0 : i32
      %dma_wait3A_287 = tpu.memref_slice %arg5[%dma_wait3A_285, %dma_wait3A_286] : memref<129x128xf32, #tpu.memory_space<vmem_shared>> -> memref<129x128xf32, #tpu.memory_space<vmem_shared>>
      tpu.wait_indirect_dma semaphore(%arg12 : memref<!tpu.dma_semaphore, #tpu.memory_space<semaphore_mem>>) src(%dma_wait3A_287 : memref<129x128xf32, #tpu.memory_space<vmem_shared>>) dst(%arg8 : memref<400x128xf32, #tpu.memory_space<vmem>>)
      %dma_wait3A_288 = arith.constant 0 : i32
      %dma_wait3A_289 = tpu.memref_slice %arg4[%mul3A_2, %dma_wait3A_288] : memref<3276800x128xf32, #tpu.memory_space<hbm>> -> memref<400x128xf32, #tpu.memory_space<hbm>>
      %dma_wait3A_290 = arith.constant 0 : i32
      %dma_wait3A_291 = tpu.memref_slice %arg4[%mul3A_2, %dma_wait3A_290] : memref<3276800x128xf32, #tpu.memory_space<hbm>> -> memref<400x128xf32, #tpu.memory_space<hbm>>
      tpu.wait_dma2 semaphore(%arg13 : memref<!tpu.dma_semaphore, #tpu.memory_space<semaphore_mem>>) src(%arg9 : memref<400x128xf32, #tpu.memory_space<vmem>>) dst(%dma_wait3A_291 : memref<400x128xf32, #tpu.memory_space<hbm>>)
      %dma_start3A_292 = arith.constant 0 : i32
      %dma_start3A_293 = tpu.memref_slice %arg4[%add3A_277, %dma_start3A_292] : memref<3276800x128xf32, #tpu.memory_space<hbm>> -> memref<400x128xf32, #tpu.memory_space<hbm>>
      %dma_start3A_294 = arith.constant 0 : i32
      %dma_start3A_295 = tpu.memref_slice %arg4[%add3A_277, %dma_start3A_294] : memref<3276800x128xf32, #tpu.memory_space<hbm>> -> memref<400x128xf32, #tpu.memory_space<hbm>>
      tpu.enqueue_dma source(%arg8 : memref<400x128xf32, #tpu.memory_space<vmem>>) target(%dma_start3A_295 : memref<400x128xf32, #tpu.memory_space<hbm>>) target_semaphore(%arg13 : memref<!tpu.dma_semaphore, #tpu.memory_space<semaphore_mem>>)
      %mul3A_296 = arith.constant 16 : i32
      %mul3A_297 = arith.muli %add3A_18, %mul3A_296 : i32
      %add3A_298 = arith.constant 11 : i32
      %add3A_299 = arith.addi %mul3A_297, %add3A_298 : i32
      %add3A_300 = arith.constant 4400 : i32
      %add3A_301 = arith.addi %add3A_23, %add3A_300 : i32
      %dma_start3A_302 = arith.constant 4400 : i32
      %dma_start3A_303 = tpu.memref_slice %arg6[%dma_start3A_302] : memref<6400xi32, #tpu.memory_space<vmem>> -> memref<400xi32, #tpu.memory_space<vmem>>
      %dma_start3A_304 = arith.constant 0 : i32
      %dma_start3A_305 = arith.constant 0 : i32
      %dma_start3A_306 = tpu.memref_slice %arg5[%dma_start3A_304, %dma_start3A_305] : memref<129x128xf32, #tpu.memory_space<vmem_shared>> -> memref<129x128xf32, #tpu.memory_space<vmem_shared>>
      tpu.enqueue_indirect_dma source(%dma_start3A_306 : memref<129x128xf32, #tpu.memory_space<vmem_shared>>) target(%arg9 : memref<400x128xf32, #tpu.memory_space<vmem>>) offsets(%dma_start3A_303 : memref<400xi32, #tpu.memory_space<vmem>>) semaphore(%arg12 : memref<!tpu.dma_semaphore, #tpu.memory_space<semaphore_mem>>)
      %dma_wait3A_307 = arith.constant 4400 : i32
      %dma_wait3A_308 = tpu.memref_slice %arg6[%dma_wait3A_307] : memref<6400xi32, #tpu.memory_space<vmem>> -> memref<400xi32, #tpu.memory_space<vmem>>
      %dma_wait3A_309 = arith.constant 0 : i32
      %dma_wait3A_310 = arith.constant 0 : i32
      %dma_wait3A_311 = tpu.memref_slice %arg5[%dma_wait3A_309, %dma_wait3A_310] : memref<129x128xf32, #tpu.memory_space<vmem_shared>> -> memref<129x128xf32, #tpu.memory_space<vmem_shared>>
      tpu.wait_indirect_dma semaphore(%arg12 : memref<!tpu.dma_semaphore, #tpu.memory_space<semaphore_mem>>) src(%dma_wait3A_311 : memref<129x128xf32, #tpu.memory_space<vmem_shared>>) dst(%arg9 : memref<400x128xf32, #tpu.memory_space<vmem>>)
      %dma_wait3A_312 = arith.constant 0 : i32
      %dma_wait3A_313 = tpu.memref_slice %arg4[%mul3A_2, %dma_wait3A_312] : memref<3276800x128xf32, #tpu.memory_space<hbm>> -> memref<400x128xf32, #tpu.memory_space<hbm>>
      %dma_wait3A_314 = arith.constant 0 : i32
      %dma_wait3A_315 = tpu.memref_slice %arg4[%mul3A_2, %dma_wait3A_314] : memref<3276800x128xf32, #tpu.memory_space<hbm>> -> memref<400x128xf32, #tpu.memory_space<hbm>>
      tpu.wait_dma2 semaphore(%arg13 : memref<!tpu.dma_semaphore, #tpu.memory_space<semaphore_mem>>) src(%arg8 : memref<400x128xf32, #tpu.memory_space<vmem>>) dst(%dma_wait3A_315 : memref<400x128xf32, #tpu.memory_space<hbm>>)
      %dma_start3A_316 = arith.constant 0 : i32
      %dma_start3A_317 = tpu.memref_slice %arg4[%add3A_301, %dma_start3A_316] : memref<3276800x128xf32, #tpu.memory_space<hbm>> -> memref<400x128xf32, #tpu.memory_space<hbm>>
      %dma_start3A_318 = arith.constant 0 : i32
      %dma_start3A_319 = tpu.memref_slice %arg4[%add3A_301, %dma_start3A_318] : memref<3276800x128xf32, #tpu.memory_space<hbm>> -> memref<400x128xf32, #tpu.memory_space<hbm>>
      tpu.enqueue_dma source(%arg9 : memref<400x128xf32, #tpu.memory_space<vmem>>) target(%dma_start3A_319 : memref<400x128xf32, #tpu.memory_space<hbm>>) target_semaphore(%arg13 : memref<!tpu.dma_semaphore, #tpu.memory_space<semaphore_mem>>)
      %mul3A_320 = arith.constant 16 : i32
      %mul3A_321 = arith.muli %add3A_18, %mul3A_320 : i32
      %add3A_322 = arith.constant 12 : i32
      %add3A_323 = arith.addi %mul3A_321, %add3A_322 : i32
      %add3A_324 = arith.constant 4800 : i32
      %add3A_325 = arith.addi %add3A_23, %add3A_324 : i32
      %dma_start3A_326 = arith.constant 4800 : i32
      %dma_start3A_327 = tpu.memref_slice %arg6[%dma_start3A_326] : memref<6400xi32, #tpu.memory_space<vmem>> -> memref<400xi32, #tpu.memory_space<vmem>>
      %dma_start3A_328 = arith.constant 0 : i32
      %dma_start3A_329 = arith.constant 0 : i32
      %dma_start3A_330 = tpu.memref_slice %arg5[%dma_start3A_328, %dma_start3A_329] : memref<129x128xf32, #tpu.memory_space<vmem_shared>> -> memref<129x128xf32, #tpu.memory_space<vmem_shared>>
      tpu.enqueue_indirect_dma source(%dma_start3A_330 : memref<129x128xf32, #tpu.memory_space<vmem_shared>>) target(%arg8 : memref<400x128xf32, #tpu.memory_space<vmem>>) offsets(%dma_start3A_327 : memref<400xi32, #tpu.memory_space<vmem>>) semaphore(%arg12 : memref<!tpu.dma_semaphore, #tpu.memory_space<semaphore_mem>>)
      %dma_wait3A_331 = arith.constant 4800 : i32
      %dma_wait3A_332 = tpu.memref_slice %arg6[%dma_wait3A_331] : memref<6400xi32, #tpu.memory_space<vmem>> -> memref<400xi32, #tpu.memory_space<vmem>>
      %dma_wait3A_333 = arith.constant 0 : i32
      %dma_wait3A_334 = arith.constant 0 : i32
      %dma_wait3A_335 = tpu.memref_slice %arg5[%dma_wait3A_333, %dma_wait3A_334] : memref<129x128xf32, #tpu.memory_space<vmem_shared>> -> memref<129x128xf32, #tpu.memory_space<vmem_shared>>
      tpu.wait_indirect_dma semaphore(%arg12 : memref<!tpu.dma_semaphore, #tpu.memory_space<semaphore_mem>>) src(%dma_wait3A_335 : memref<129x128xf32, #tpu.memory_space<vmem_shared>>) dst(%arg8 : memref<400x128xf32, #tpu.memory_space<vmem>>)
      %dma_wait3A_336 = arith.constant 0 : i32
      %dma_wait3A_337 = tpu.memref_slice %arg4[%mul3A_2, %dma_wait3A_336] : memref<3276800x128xf32, #tpu.memory_space<hbm>> -> memref<400x128xf32, #tpu.memory_space<hbm>>
      %dma_wait3A_338 = arith.constant 0 : i32
      %dma_wait3A_339 = tpu.memref_slice %arg4[%mul3A_2, %dma_wait3A_338] : memref<3276800x128xf32, #tpu.memory_space<hbm>> -> memref<400x128xf32, #tpu.memory_space<hbm>>
      tpu.wait_dma2 semaphore(%arg13 : memref<!tpu.dma_semaphore, #tpu.memory_space<semaphore_mem>>) src(%arg9 : memref<400x128xf32, #tpu.memory_space<vmem>>) dst(%dma_wait3A_339 : memref<400x128xf32, #tpu.memory_space<hbm>>)
      %dma_start3A_340 = arith.constant 0 : i32
      %dma_start3A_341 = tpu.memref_slice %arg4[%add3A_325, %dma_start3A_340] : memref<3276800x128xf32, #tpu.memory_space<hbm>> -> memref<400x128xf32, #tpu.memory_space<hbm>>
      %dma_start3A_342 = arith.constant 0 : i32
      %dma_start3A_343 = tpu.memref_slice %arg4[%add3A_325, %dma_start3A_342] : memref<3276800x128xf32, #tpu.memory_space<hbm>> -> memref<400x128xf32, #tpu.memory_space<hbm>>
      tpu.enqueue_dma source(%arg8 : memref<400x128xf32, #tpu.memory_space<vmem>>) target(%dma_start3A_343 : memref<400x128xf32, #tpu.memory_space<hbm>>) target_semaphore(%arg13 : memref<!tpu.dma_semaphore, #tpu.memory_space<semaphore_mem>>)
      %mul3A_344 = arith.constant 16 : i32
      %mul3A_345 = arith.muli %add3A_18, %mul3A_344 : i32
      %add3A_346 = arith.constant 13 : i32
      %add3A_347 = arith.addi %mul3A_345, %add3A_346 : i32
      %add3A_348 = arith.constant 5200 : i32
      %add3A_349 = arith.addi %add3A_23, %add3A_348 : i32
      %dma_start3A_350 = arith.constant 5200 : i32
      %dma_start3A_351 = tpu.memref_slice %arg6[%dma_start3A_350] : memref<6400xi32, #tpu.memory_space<vmem>> -> memref<400xi32, #tpu.memory_space<vmem>>
      %dma_start3A_352 = arith.constant 0 : i32
      %dma_start3A_353 = arith.constant 0 : i32
      %dma_start3A_354 = tpu.memref_slice %arg5[%dma_start3A_352, %dma_start3A_353] : memref<129x128xf32, #tpu.memory_space<vmem_shared>> -> memref<129x128xf32, #tpu.memory_space<vmem_shared>>
      tpu.enqueue_indirect_dma source(%dma_start3A_354 : memref<129x128xf32, #tpu.memory_space<vmem_shared>>) target(%arg9 : memref<400x128xf32, #tpu.memory_space<vmem>>) offsets(%dma_start3A_351 : memref<400xi32, #tpu.memory_space<vmem>>) semaphore(%arg12 : memref<!tpu.dma_semaphore, #tpu.memory_space<semaphore_mem>>)
      %dma_wait3A_355 = arith.constant 5200 : i32
      %dma_wait3A_356 = tpu.memref_slice %arg6[%dma_wait3A_355] : memref<6400xi32, #tpu.memory_space<vmem>> -> memref<400xi32, #tpu.memory_space<vmem>>
      %dma_wait3A_357 = arith.constant 0 : i32
      %dma_wait3A_358 = arith.constant 0 : i32
      %dma_wait3A_359 = tpu.memref_slice %arg5[%dma_wait3A_357, %dma_wait3A_358] : memref<129x128xf32, #tpu.memory_space<vmem_shared>> -> memref<129x128xf32, #tpu.memory_space<vmem_shared>>
      tpu.wait_indirect_dma semaphore(%arg12 : memref<!tpu.dma_semaphore, #tpu.memory_space<semaphore_mem>>) src(%dma_wait3A_359 : memref<129x128xf32, #tpu.memory_space<vmem_shared>>) dst(%arg9 : memref<400x128xf32, #tpu.memory_space<vmem>>)
      %dma_wait3A_360 = arith.constant 0 : i32
      %dma_wait3A_361 = tpu.memref_slice %arg4[%mul3A_2, %dma_wait3A_360] : memref<3276800x128xf32, #tpu.memory_space<hbm>> -> memref<400x128xf32, #tpu.memory_space<hbm>>
      %dma_wait3A_362 = arith.constant 0 : i32
      %dma_wait3A_363 = tpu.memref_slice %arg4[%mul3A_2, %dma_wait3A_362] : memref<3276800x128xf32, #tpu.memory_space<hbm>> -> memref<400x128xf32, #tpu.memory_space<hbm>>
      tpu.wait_dma2 semaphore(%arg13 : memref<!tpu.dma_semaphore, #tpu.memory_space<semaphore_mem>>) src(%arg8 : memref<400x128xf32, #tpu.memory_space<vmem>>) dst(%dma_wait3A_363 : memref<400x128xf32, #tpu.memory_space<hbm>>)
      %dma_start3A_364 = arith.constant 0 : i32
      %dma_start3A_365 = tpu.memref_slice %arg4[%add3A_349, %dma_start3A_364] : memref<3276800x128xf32, #tpu.memory_space<hbm>> -> memref<400x128xf32, #tpu.memory_space<hbm>>
      %dma_start3A_366 = arith.constant 0 : i32
      %dma_start3A_367 = tpu.memref_slice %arg4[%add3A_349, %dma_start3A_366] : memref<3276800x128xf32, #tpu.memory_space<hbm>> -> memref<400x128xf32, #tpu.memory_space<hbm>>
      tpu.enqueue_dma source(%arg9 : memref<400x128xf32, #tpu.memory_space<vmem>>) target(%dma_start3A_367 : memref<400x128xf32, #tpu.memory_space<hbm>>) target_semaphore(%arg13 : memref<!tpu.dma_semaphore, #tpu.memory_space<semaphore_mem>>)
      %mul3A_368 = arith.constant 16 : i32
      %mul3A_369 = arith.muli %add3A_18, %mul3A_368 : i32
      %add3A_370 = arith.constant 14 : i32
      %add3A_371 = arith.addi %mul3A_369, %add3A_370 : i32
      %add3A_372 = arith.constant 5600 : i32
      %add3A_373 = arith.addi %add3A_23, %add3A_372 : i32
      %dma_start3A_374 = arith.constant 5600 : i32
      %dma_start3A_375 = tpu.memref_slice %arg6[%dma_start3A_374] : memref<6400xi32, #tpu.memory_space<vmem>> -> memref<400xi32, #tpu.memory_space<vmem>>
      %dma_start3A_376 = arith.constant 0 : i32
      %dma_start3A_377 = arith.constant 0 : i32
      %dma_start3A_378 = tpu.memref_slice %arg5[%dma_start3A_376, %dma_start3A_377] : memref<129x128xf32, #tpu.memory_space<vmem_shared>> -> memref<129x128xf32, #tpu.memory_space<vmem_shared>>
      tpu.enqueue_indirect_dma source(%dma_start3A_378 : memref<129x128xf32, #tpu.memory_space<vmem_shared>>) target(%arg8 : memref<400x128xf32, #tpu.memory_space<vmem>>) offsets(%dma_start3A_375 : memref<400xi32, #tpu.memory_space<vmem>>) semaphore(%arg12 : memref<!tpu.dma_semaphore, #tpu.memory_space<semaphore_mem>>)
      %dma_wait3A_379 = arith.constant 5600 : i32
      %dma_wait3A_380 = tpu.memref_slice %arg6[%dma_wait3A_379] : memref<6400xi32, #tpu.memory_space<vmem>> -> memref<400xi32, #tpu.memory_space<vmem>>
      %dma_wait3A_381 = arith.constant 0 : i32
      %dma_wait3A_382 = arith.constant 0 : i32
      %dma_wait3A_383 = tpu.memref_slice %arg5[%dma_wait3A_381, %dma_wait3A_382] : memref<129x128xf32, #tpu.memory_space<vmem_shared>> -> memref<129x128xf32, #tpu.memory_space<vmem_shared>>
      tpu.wait_indirect_dma semaphore(%arg12 : memref<!tpu.dma_semaphore, #tpu.memory_space<semaphore_mem>>) src(%dma_wait3A_383 : memref<129x128xf32, #tpu.memory_space<vmem_shared>>) dst(%arg8 : memref<400x128xf32, #tpu.memory_space<vmem>>)
      %dma_wait3A_384 = arith.constant 0 : i32
      %dma_wait3A_385 = tpu.memref_slice %arg4[%mul3A_2, %dma_wait3A_384] : memref<3276800x128xf32, #tpu.memory_space<hbm>> -> memref<400x128xf32, #tpu.memory_space<hbm>>
      %dma_wait3A_386 = arith.constant 0 : i32
      %dma_wait3A_387 = tpu.memref_slice %arg4[%mul3A_2, %dma_wait3A_386] : memref<3276800x128xf32, #tpu.memory_space<hbm>> -> memref<400x128xf32, #tpu.memory_space<hbm>>
      tpu.wait_dma2 semaphore(%arg13 : memref<!tpu.dma_semaphore, #tpu.memory_space<semaphore_mem>>) src(%arg9 : memref<400x128xf32, #tpu.memory_space<vmem>>) dst(%dma_wait3A_387 : memref<400x128xf32, #tpu.memory_space<hbm>>)
      %dma_start3A_388 = arith.constant 0 : i32
      %dma_start3A_389 = tpu.memref_slice %arg4[%add3A_373, %dma_start3A_388] : memref<3276800x128xf32, #tpu.memory_space<hbm>> -> memref<400x128xf32, #tpu.memory_space<hbm>>
      %dma_start3A_390 = arith.constant 0 : i32
      %dma_start3A_391 = tpu.memref_slice %arg4[%add3A_373, %dma_start3A_390] : memref<3276800x128xf32, #tpu.memory_space<hbm>> -> memref<400x128xf32, #tpu.memory_space<hbm>>
      tpu.enqueue_dma source(%arg8 : memref<400x128xf32, #tpu.memory_space<vmem>>) target(%dma_start3A_391 : memref<400x128xf32, #tpu.memory_space<hbm>>) target_semaphore(%arg13 : memref<!tpu.dma_semaphore, #tpu.memory_space<semaphore_mem>>)
      %mul3A_392 = arith.constant 16 : i32
      %mul3A_393 = arith.muli %add3A_18, %mul3A_392 : i32
      %add3A_394 = arith.constant 15 : i32
      %add3A_395 = arith.addi %mul3A_393, %add3A_394 : i32
      %add3A_396 = arith.constant 6000 : i32
      %add3A_397 = arith.addi %add3A_23, %add3A_396 : i32
      %dma_start3A_398 = arith.constant 6000 : i32
      %dma_start3A_399 = tpu.memref_slice %arg6[%dma_start3A_398] : memref<6400xi32, #tpu.memory_space<vmem>> -> memref<400xi32, #tpu.memory_space<vmem>>
      %dma_start3A_400 = arith.constant 0 : i32
      %dma_start3A_401 = arith.constant 0 : i32
      %dma_start3A_402 = tpu.memref_slice %arg5[%dma_start3A_400, %dma_start3A_401] : memref<129x128xf32, #tpu.memory_space<vmem_shared>> -> memref<129x128xf32, #tpu.memory_space<vmem_shared>>
      tpu.enqueue_indirect_dma source(%dma_start3A_402 : memref<129x128xf32, #tpu.memory_space<vmem_shared>>) target(%arg9 : memref<400x128xf32, #tpu.memory_space<vmem>>) offsets(%dma_start3A_399 : memref<400xi32, #tpu.memory_space<vmem>>) semaphore(%arg12 : memref<!tpu.dma_semaphore, #tpu.memory_space<semaphore_mem>>)
      %dma_wait3A_403 = arith.constant 6000 : i32
      %dma_wait3A_404 = tpu.memref_slice %arg6[%dma_wait3A_403] : memref<6400xi32, #tpu.memory_space<vmem>> -> memref<400xi32, #tpu.memory_space<vmem>>
      %dma_wait3A_405 = arith.constant 0 : i32
      %dma_wait3A_406 = arith.constant 0 : i32
      %dma_wait3A_407 = tpu.memref_slice %arg5[%dma_wait3A_405, %dma_wait3A_406] : memref<129x128xf32, #tpu.memory_space<vmem_shared>> -> memref<129x128xf32, #tpu.memory_space<vmem_shared>>
      tpu.wait_indirect_dma semaphore(%arg12 : memref<!tpu.dma_semaphore, #tpu.memory_space<semaphore_mem>>) src(%dma_wait3A_407 : memref<129x128xf32, #tpu.memory_space<vmem_shared>>) dst(%arg9 : memref<400x128xf32, #tpu.memory_space<vmem>>)
      %dma_wait3A_408 = arith.constant 0 : i32
      %dma_wait3A_409 = tpu.memref_slice %arg4[%mul3A_2, %dma_wait3A_408] : memref<3276800x128xf32, #tpu.memory_space<hbm>> -> memref<400x128xf32, #tpu.memory_space<hbm>>
      %dma_wait3A_410 = arith.constant 0 : i32
      %dma_wait3A_411 = tpu.memref_slice %arg4[%mul3A_2, %dma_wait3A_410] : memref<3276800x128xf32, #tpu.memory_space<hbm>> -> memref<400x128xf32, #tpu.memory_space<hbm>>
      tpu.wait_dma2 semaphore(%arg13 : memref<!tpu.dma_semaphore, #tpu.memory_space<semaphore_mem>>) src(%arg8 : memref<400x128xf32, #tpu.memory_space<vmem>>) dst(%dma_wait3A_411 : memref<400x128xf32, #tpu.memory_space<hbm>>)
      %dma_start3A_412 = arith.constant 0 : i32
      %dma_start3A_413 = tpu.memref_slice %arg4[%add3A_397, %dma_start3A_412] : memref<3276800x128xf32, #tpu.memory_space<hbm>> -> memref<400x128xf32, #tpu.memory_space<hbm>>
      %dma_start3A_414 = arith.constant 0 : i32
      %dma_start3A_415 = tpu.memref_slice %arg4[%add3A_397, %dma_start3A_414] : memref<3276800x128xf32, #tpu.memory_space<hbm>> -> memref<400x128xf32, #tpu.memory_space<hbm>>
      tpu.enqueue_dma source(%arg9 : memref<400x128xf32, #tpu.memory_space<vmem>>) target(%dma_start3A_415 : memref<400x128xf32, #tpu.memory_space<hbm>>) target_semaphore(%arg13 : memref<!tpu.dma_semaphore, #tpu.memory_space<semaphore_mem>>)
      %mul3A_416 = arith.constant 2 : i32
      %mul3A_417 = arith.muli %scan3A_14, %mul3A_416 : i32
      %add3A_418 = arith.constant 1 : i32
      %add3A_419 = arith.addi %mul3A_417, %add3A_418 : i32
      %mul3A_420 = arith.constant 16 : i32
      %mul3A_421 = arith.muli %add3A_419, %mul3A_420 : i32
      %mul3A_422 = arith.constant 400 : i32
      %mul3A_423 = arith.muli %mul3A_421, %mul3A_422 : i32
      %add3A_424 = arith.addi %mul3A_2, %mul3A_423 : i32
      %add3A_425 = arith.constant 1 : i32
      %add3A_426 = arith.addi %add3A_419, %add3A_425 : i32
      %lt3A_427 = arith.constant 16 : i32
      %lt3A_428 = arith.cmpi slt, %add3A_426, %lt3A_427 : i32
      %convert_element_type3A_429 = arith.extui %lt3A_428 : i1 to i32
      %cond3A_430 = arith.constant 0 : i32
      %cond3A_431 = arith.cmpi ne, %convert_element_type3A_429, %cond3A_430 : i32
      scf.if %cond3A_431 {
        %add3A_818 = arith.constant 6400 : i32
        %add3A_819 = arith.addi %add3A_424, %add3A_818 : i32
        %dma_start3A_820 = tpu.memref_slice %arg2[%add3A_819] : memref<3276800xi32, #tpu.memory_space<hbm>> -> memref<6400xi32, #tpu.memory_space<hbm>>
        %dma_start3A_821 = tpu.memref_slice %arg2[%add3A_819] : memref<3276800xi32, #tpu.memory_space<hbm>> -> memref<6400xi32, #tpu.memory_space<hbm>>
        tpu.enqueue_dma source(%dma_start3A_821 : memref<6400xi32, #tpu.memory_space<hbm>>) target(%arg6 : memref<6400xi32, #tpu.memory_space<vmem>>) target_semaphore(%arg10 : memref<!tpu.dma_semaphore, #tpu.memory_space<semaphore_mem>>)
      } else {
      }
      %dma_wait3A_432 = tpu.memref_slice %arg2[%add3A_424] : memref<3276800xi32, #tpu.memory_space<hbm>> -> memref<6400xi32, #tpu.memory_space<hbm>>
      %dma_wait3A_433 = tpu.memref_slice %arg2[%add3A_424] : memref<3276800xi32, #tpu.memory_space<hbm>> -> memref<6400xi32, #tpu.memory_space<hbm>>
      tpu.wait_dma2 semaphore(%arg11 : memref<!tpu.dma_semaphore, #tpu.memory_space<semaphore_mem>>) src(%dma_wait3A_433 : memref<6400xi32, #tpu.memory_space<hbm>>) dst(%arg7 : memref<6400xi32, #tpu.memory_space<vmem>>)
      %mul3A_434 = arith.constant 16 : i32
      %mul3A_435 = arith.muli %add3A_419, %mul3A_434 : i32
      %add3A_436 = arith.constant 0 : i32
      %add3A_437 = arith.addi %mul3A_435, %add3A_436 : i32
      %add3A_438 = arith.constant 0 : i32
      %add3A_439 = arith.addi %add3A_424, %add3A_438 : i32
      %dma_start3A_440 = arith.constant 0 : i32
      %dma_start3A_441 = tpu.memref_slice %arg7[%dma_start3A_440] : memref<6400xi32, #tpu.memory_space<vmem>> -> memref<400xi32, #tpu.memory_space<vmem>>
      %dma_start3A_442 = arith.constant 0 : i32
      %dma_start3A_443 = arith.constant 0 : i32
      %dma_start3A_444 = tpu.memref_slice %arg5[%dma_start3A_442, %dma_start3A_443] : memref<129x128xf32, #tpu.memory_space<vmem_shared>> -> memref<129x128xf32, #tpu.memory_space<vmem_shared>>
      tpu.enqueue_indirect_dma source(%dma_start3A_444 : memref<129x128xf32, #tpu.memory_space<vmem_shared>>) target(%arg8 : memref<400x128xf32, #tpu.memory_space<vmem>>) offsets(%dma_start3A_441 : memref<400xi32, #tpu.memory_space<vmem>>) semaphore(%arg12 : memref<!tpu.dma_semaphore, #tpu.memory_space<semaphore_mem>>)
      %dma_wait3A_445 = arith.constant 0 : i32
      %dma_wait3A_446 = tpu.memref_slice %arg7[%dma_wait3A_445] : memref<6400xi32, #tpu.memory_space<vmem>> -> memref<400xi32, #tpu.memory_space<vmem>>
      %dma_wait3A_447 = arith.constant 0 : i32
      %dma_wait3A_448 = arith.constant 0 : i32
      %dma_wait3A_449 = tpu.memref_slice %arg5[%dma_wait3A_447, %dma_wait3A_448] : memref<129x128xf32, #tpu.memory_space<vmem_shared>> -> memref<129x128xf32, #tpu.memory_space<vmem_shared>>
      tpu.wait_indirect_dma semaphore(%arg12 : memref<!tpu.dma_semaphore, #tpu.memory_space<semaphore_mem>>) src(%dma_wait3A_449 : memref<129x128xf32, #tpu.memory_space<vmem_shared>>) dst(%arg8 : memref<400x128xf32, #tpu.memory_space<vmem>>)
      %dma_wait3A_450 = arith.constant 0 : i32
      %dma_wait3A_451 = tpu.memref_slice %arg4[%mul3A_2, %dma_wait3A_450] : memref<3276800x128xf32, #tpu.memory_space<hbm>> -> memref<400x128xf32, #tpu.memory_space<hbm>>
      %dma_wait3A_452 = arith.constant 0 : i32
      %dma_wait3A_453 = tpu.memref_slice %arg4[%mul3A_2, %dma_wait3A_452] : memref<3276800x128xf32, #tpu.memory_space<hbm>> -> memref<400x128xf32, #tpu.memory_space<hbm>>
      tpu.wait_dma2 semaphore(%arg13 : memref<!tpu.dma_semaphore, #tpu.memory_space<semaphore_mem>>) src(%arg9 : memref<400x128xf32, #tpu.memory_space<vmem>>) dst(%dma_wait3A_453 : memref<400x128xf32, #tpu.memory_space<hbm>>)
      %dma_start3A_454 = arith.constant 0 : i32
      %dma_start3A_455 = tpu.memref_slice %arg4[%add3A_439, %dma_start3A_454] : memref<3276800x128xf32, #tpu.memory_space<hbm>> -> memref<400x128xf32, #tpu.memory_space<hbm>>
      %dma_start3A_456 = arith.constant 0 : i32
      %dma_start3A_457 = tpu.memref_slice %arg4[%add3A_439, %dma_start3A_456] : memref<3276800x128xf32, #tpu.memory_space<hbm>> -> memref<400x128xf32, #tpu.memory_space<hbm>>
      tpu.enqueue_dma source(%arg8 : memref<400x128xf32, #tpu.memory_space<vmem>>) target(%dma_start3A_457 : memref<400x128xf32, #tpu.memory_space<hbm>>) target_semaphore(%arg13 : memref<!tpu.dma_semaphore, #tpu.memory_space<semaphore_mem>>)
      %mul3A_458 = arith.constant 16 : i32
      %mul3A_459 = arith.muli %add3A_419, %mul3A_458 : i32
      %add3A_460 = arith.constant 1 : i32
      %add3A_461 = arith.addi %mul3A_459, %add3A_460 : i32
      %add3A_462 = arith.constant 400 : i32
      %add3A_463 = arith.addi %add3A_424, %add3A_462 : i32
      %dma_start3A_464 = arith.constant 400 : i32
      %dma_start3A_465 = tpu.memref_slice %arg7[%dma_start3A_464] : memref<6400xi32, #tpu.memory_space<vmem>> -> memref<400xi32, #tpu.memory_space<vmem>>
      %dma_start3A_466 = arith.constant 0 : i32
      %dma_start3A_467 = arith.constant 0 : i32
      %dma_start3A_468 = tpu.memref_slice %arg5[%dma_start3A_466, %dma_start3A_467] : memref<129x128xf32, #tpu.memory_space<vmem_shared>> -> memref<129x128xf32, #tpu.memory_space<vmem_shared>>
      tpu.enqueue_indirect_dma source(%dma_start3A_468 : memref<129x128xf32, #tpu.memory_space<vmem_shared>>) target(%arg9 : memref<400x128xf32, #tpu.memory_space<vmem>>) offsets(%dma_start3A_465 : memref<400xi32, #tpu.memory_space<vmem>>) semaphore(%arg12 : memref<!tpu.dma_semaphore, #tpu.memory_space<semaphore_mem>>)
      %dma_wait3A_469 = arith.constant 400 : i32
      %dma_wait3A_470 = tpu.memref_slice %arg7[%dma_wait3A_469] : memref<6400xi32, #tpu.memory_space<vmem>> -> memref<400xi32, #tpu.memory_space<vmem>>
      %dma_wait3A_471 = arith.constant 0 : i32
      %dma_wait3A_472 = arith.constant 0 : i32
      %dma_wait3A_473 = tpu.memref_slice %arg5[%dma_wait3A_471, %dma_wait3A_472] : memref<129x128xf32, #tpu.memory_space<vmem_shared>> -> memref<129x128xf32, #tpu.memory_space<vmem_shared>>
      tpu.wait_indirect_dma semaphore(%arg12 : memref<!tpu.dma_semaphore, #tpu.memory_space<semaphore_mem>>) src(%dma_wait3A_473 : memref<129x128xf32, #tpu.memory_space<vmem_shared>>) dst(%arg9 : memref<400x128xf32, #tpu.memory_space<vmem>>)
      %dma_wait3A_474 = arith.constant 0 : i32
      %dma_wait3A_475 = tpu.memref_slice %arg4[%mul3A_2, %dma_wait3A_474] : memref<3276800x128xf32, #tpu.memory_space<hbm>> -> memref<400x128xf32, #tpu.memory_space<hbm>>
      %dma_wait3A_476 = arith.constant 0 : i32
      %dma_wait3A_477 = tpu.memref_slice %arg4[%mul3A_2, %dma_wait3A_476] : memref<3276800x128xf32, #tpu.memory_space<hbm>> -> memref<400x128xf32, #tpu.memory_space<hbm>>
      tpu.wait_dma2 semaphore(%arg13 : memref<!tpu.dma_semaphore, #tpu.memory_space<semaphore_mem>>) src(%arg8 : memref<400x128xf32, #tpu.memory_space<vmem>>) dst(%dma_wait3A_477 : memref<400x128xf32, #tpu.memory_space<hbm>>)
      %dma_start3A_478 = arith.constant 0 : i32
      %dma_start3A_479 = tpu.memref_slice %arg4[%add3A_463, %dma_start3A_478] : memref<3276800x128xf32, #tpu.memory_space<hbm>> -> memref<400x128xf32, #tpu.memory_space<hbm>>
      %dma_start3A_480 = arith.constant 0 : i32
      %dma_start3A_481 = tpu.memref_slice %arg4[%add3A_463, %dma_start3A_480] : memref<3276800x128xf32, #tpu.memory_space<hbm>> -> memref<400x128xf32, #tpu.memory_space<hbm>>
      tpu.enqueue_dma source(%arg9 : memref<400x128xf32, #tpu.memory_space<vmem>>) target(%dma_start3A_481 : memref<400x128xf32, #tpu.memory_space<hbm>>) target_semaphore(%arg13 : memref<!tpu.dma_semaphore, #tpu.memory_space<semaphore_mem>>)
      %mul3A_482 = arith.constant 16 : i32
      %mul3A_483 = arith.muli %add3A_419, %mul3A_482 : i32
      %add3A_484 = arith.constant 2 : i32
      %add3A_485 = arith.addi %mul3A_483, %add3A_484 : i32
      %add3A_486 = arith.constant 800 : i32
      %add3A_487 = arith.addi %add3A_424, %add3A_486 : i32
      %dma_start3A_488 = arith.constant 800 : i32
      %dma_start3A_489 = tpu.memref_slice %arg7[%dma_start3A_488] : memref<6400xi32, #tpu.memory_space<vmem>> -> memref<400xi32, #tpu.memory_space<vmem>>
      %dma_start3A_490 = arith.constant 0 : i32
      %dma_start3A_491 = arith.constant 0 : i32
      %dma_start3A_492 = tpu.memref_slice %arg5[%dma_start3A_490, %dma_start3A_491] : memref<129x128xf32, #tpu.memory_space<vmem_shared>> -> memref<129x128xf32, #tpu.memory_space<vmem_shared>>
      tpu.enqueue_indirect_dma source(%dma_start3A_492 : memref<129x128xf32, #tpu.memory_space<vmem_shared>>) target(%arg8 : memref<400x128xf32, #tpu.memory_space<vmem>>) offsets(%dma_start3A_489 : memref<400xi32, #tpu.memory_space<vmem>>) semaphore(%arg12 : memref<!tpu.dma_semaphore, #tpu.memory_space<semaphore_mem>>)
      %dma_wait3A_493 = arith.constant 800 : i32
      %dma_wait3A_494 = tpu.memref_slice %arg7[%dma_wait3A_493] : memref<6400xi32, #tpu.memory_space<vmem>> -> memref<400xi32, #tpu.memory_space<vmem>>
      %dma_wait3A_495 = arith.constant 0 : i32
      %dma_wait3A_496 = arith.constant 0 : i32
      %dma_wait3A_497 = tpu.memref_slice %arg5[%dma_wait3A_495, %dma_wait3A_496] : memref<129x128xf32, #tpu.memory_space<vmem_shared>> -> memref<129x128xf32, #tpu.memory_space<vmem_shared>>
      tpu.wait_indirect_dma semaphore(%arg12 : memref<!tpu.dma_semaphore, #tpu.memory_space<semaphore_mem>>) src(%dma_wait3A_497 : memref<129x128xf32, #tpu.memory_space<vmem_shared>>) dst(%arg8 : memref<400x128xf32, #tpu.memory_space<vmem>>)
      %dma_wait3A_498 = arith.constant 0 : i32
      %dma_wait3A_499 = tpu.memref_slice %arg4[%mul3A_2, %dma_wait3A_498] : memref<3276800x128xf32, #tpu.memory_space<hbm>> -> memref<400x128xf32, #tpu.memory_space<hbm>>
      %dma_wait3A_500 = arith.constant 0 : i32
      %dma_wait3A_501 = tpu.memref_slice %arg4[%mul3A_2, %dma_wait3A_500] : memref<3276800x128xf32, #tpu.memory_space<hbm>> -> memref<400x128xf32, #tpu.memory_space<hbm>>
      tpu.wait_dma2 semaphore(%arg13 : memref<!tpu.dma_semaphore, #tpu.memory_space<semaphore_mem>>) src(%arg9 : memref<400x128xf32, #tpu.memory_space<vmem>>) dst(%dma_wait3A_501 : memref<400x128xf32, #tpu.memory_space<hbm>>)
      %dma_start3A_502 = arith.constant 0 : i32
      %dma_start3A_503 = tpu.memref_slice %arg4[%add3A_487, %dma_start3A_502] : memref<3276800x128xf32, #tpu.memory_space<hbm>> -> memref<400x128xf32, #tpu.memory_space<hbm>>
      %dma_start3A_504 = arith.constant 0 : i32
      %dma_start3A_505 = tpu.memref_slice %arg4[%add3A_487, %dma_start3A_504] : memref<3276800x128xf32, #tpu.memory_space<hbm>> -> memref<400x128xf32, #tpu.memory_space<hbm>>
      tpu.enqueue_dma source(%arg8 : memref<400x128xf32, #tpu.memory_space<vmem>>) target(%dma_start3A_505 : memref<400x128xf32, #tpu.memory_space<hbm>>) target_semaphore(%arg13 : memref<!tpu.dma_semaphore, #tpu.memory_space<semaphore_mem>>)
      %mul3A_506 = arith.constant 16 : i32
      %mul3A_507 = arith.muli %add3A_419, %mul3A_506 : i32
      %add3A_508 = arith.constant 3 : i32
      %add3A_509 = arith.addi %mul3A_507, %add3A_508 : i32
      %add3A_510 = arith.constant 1200 : i32
      %add3A_511 = arith.addi %add3A_424, %add3A_510 : i32
      %dma_start3A_512 = arith.constant 1200 : i32
      %dma_start3A_513 = tpu.memref_slice %arg7[%dma_start3A_512] : memref<6400xi32, #tpu.memory_space<vmem>> -> memref<400xi32, #tpu.memory_space<vmem>>
      %dma_start3A_514 = arith.constant 0 : i32
      %dma_start3A_515 = arith.constant 0 : i32
      %dma_start3A_516 = tpu.memref_slice %arg5[%dma_start3A_514, %dma_start3A_515] : memref<129x128xf32, #tpu.memory_space<vmem_shared>> -> memref<129x128xf32, #tpu.memory_space<vmem_shared>>
      tpu.enqueue_indirect_dma source(%dma_start3A_516 : memref<129x128xf32, #tpu.memory_space<vmem_shared>>) target(%arg9 : memref<400x128xf32, #tpu.memory_space<vmem>>) offsets(%dma_start3A_513 : memref<400xi32, #tpu.memory_space<vmem>>) semaphore(%arg12 : memref<!tpu.dma_semaphore, #tpu.memory_space<semaphore_mem>>)
      %dma_wait3A_517 = arith.constant 1200 : i32
      %dma_wait3A_518 = tpu.memref_slice %arg7[%dma_wait3A_517] : memref<6400xi32, #tpu.memory_space<vmem>> -> memref<400xi32, #tpu.memory_space<vmem>>
      %dma_wait3A_519 = arith.constant 0 : i32
      %dma_wait3A_520 = arith.constant 0 : i32
      %dma_wait3A_521 = tpu.memref_slice %arg5[%dma_wait3A_519, %dma_wait3A_520] : memref<129x128xf32, #tpu.memory_space<vmem_shared>> -> memref<129x128xf32, #tpu.memory_space<vmem_shared>>
      tpu.wait_indirect_dma semaphore(%arg12 : memref<!tpu.dma_semaphore, #tpu.memory_space<semaphore_mem>>) src(%dma_wait3A_521 : memref<129x128xf32, #tpu.memory_space<vmem_shared>>) dst(%arg9 : memref<400x128xf32, #tpu.memory_space<vmem>>)
      %dma_wait3A_522 = arith.constant 0 : i32
      %dma_wait3A_523 = tpu.memref_slice %arg4[%mul3A_2, %dma_wait3A_522] : memref<3276800x128xf32, #tpu.memory_space<hbm>> -> memref<400x128xf32, #tpu.memory_space<hbm>>
      %dma_wait3A_524 = arith.constant 0 : i32
      %dma_wait3A_525 = tpu.memref_slice %arg4[%mul3A_2, %dma_wait3A_524] : memref<3276800x128xf32, #tpu.memory_space<hbm>> -> memref<400x128xf32, #tpu.memory_space<hbm>>
      tpu.wait_dma2 semaphore(%arg13 : memref<!tpu.dma_semaphore, #tpu.memory_space<semaphore_mem>>) src(%arg8 : memref<400x128xf32, #tpu.memory_space<vmem>>) dst(%dma_wait3A_525 : memref<400x128xf32, #tpu.memory_space<hbm>>)
      %dma_start3A_526 = arith.constant 0 : i32
      %dma_start3A_527 = tpu.memref_slice %arg4[%add3A_511, %dma_start3A_526] : memref<3276800x128xf32, #tpu.memory_space<hbm>> -> memref<400x128xf32, #tpu.memory_space<hbm>>
      %dma_start3A_528 = arith.constant 0 : i32
      %dma_start3A_529 = tpu.memref_slice %arg4[%add3A_511, %dma_start3A_528] : memref<3276800x128xf32, #tpu.memory_space<hbm>> -> memref<400x128xf32, #tpu.memory_space<hbm>>
      tpu.enqueue_dma source(%arg9 : memref<400x128xf32, #tpu.memory_space<vmem>>) target(%dma_start3A_529 : memref<400x128xf32, #tpu.memory_space<hbm>>) target_semaphore(%arg13 : memref<!tpu.dma_semaphore, #tpu.memory_space<semaphore_mem>>)
      %mul3A_530 = arith.constant 16 : i32
      %mul3A_531 = arith.muli %add3A_419, %mul3A_530 : i32
      %add3A_532 = arith.constant 4 : i32
      %add3A_533 = arith.addi %mul3A_531, %add3A_532 : i32
      %add3A_534 = arith.constant 1600 : i32
      %add3A_535 = arith.addi %add3A_424, %add3A_534 : i32
      %dma_start3A_536 = arith.constant 1600 : i32
      %dma_start3A_537 = tpu.memref_slice %arg7[%dma_start3A_536] : memref<6400xi32, #tpu.memory_space<vmem>> -> memref<400xi32, #tpu.memory_space<vmem>>
      %dma_start3A_538 = arith.constant 0 : i32
      %dma_start3A_539 = arith.constant 0 : i32
      %dma_start3A_540 = tpu.memref_slice %arg5[%dma_start3A_538, %dma_start3A_539] : memref<129x128xf32, #tpu.memory_space<vmem_shared>> -> memref<129x128xf32, #tpu.memory_space<vmem_shared>>
      tpu.enqueue_indirect_dma source(%dma_start3A_540 : memref<129x128xf32, #tpu.memory_space<vmem_shared>>) target(%arg8 : memref<400x128xf32, #tpu.memory_space<vmem>>) offsets(%dma_start3A_537 : memref<400xi32, #tpu.memory_space<vmem>>) semaphore(%arg12 : memref<!tpu.dma_semaphore, #tpu.memory_space<semaphore_mem>>)
      %dma_wait3A_541 = arith.constant 1600 : i32
      %dma_wait3A_542 = tpu.memref_slice %arg7[%dma_wait3A_541] : memref<6400xi32, #tpu.memory_space<vmem>> -> memref<400xi32, #tpu.memory_space<vmem>>
      %dma_wait3A_543 = arith.constant 0 : i32
      %dma_wait3A_544 = arith.constant 0 : i32
      %dma_wait3A_545 = tpu.memref_slice %arg5[%dma_wait3A_543, %dma_wait3A_544] : memref<129x128xf32, #tpu.memory_space<vmem_shared>> -> memref<129x128xf32, #tpu.memory_space<vmem_shared>>
      tpu.wait_indirect_dma semaphore(%arg12 : memref<!tpu.dma_semaphore, #tpu.memory_space<semaphore_mem>>) src(%dma_wait3A_545 : memref<129x128xf32, #tpu.memory_space<vmem_shared>>) dst(%arg8 : memref<400x128xf32, #tpu.memory_space<vmem>>)
      %dma_wait3A_546 = arith.constant 0 : i32
      %dma_wait3A_547 = tpu.memref_slice %arg4[%mul3A_2, %dma_wait3A_546] : memref<3276800x128xf32, #tpu.memory_space<hbm>> -> memref<400x128xf32, #tpu.memory_space<hbm>>
      %dma_wait3A_548 = arith.constant 0 : i32
      %dma_wait3A_549 = tpu.memref_slice %arg4[%mul3A_2, %dma_wait3A_548] : memref<3276800x128xf32, #tpu.memory_space<hbm>> -> memref<400x128xf32, #tpu.memory_space<hbm>>
      tpu.wait_dma2 semaphore(%arg13 : memref<!tpu.dma_semaphore, #tpu.memory_space<semaphore_mem>>) src(%arg9 : memref<400x128xf32, #tpu.memory_space<vmem>>) dst(%dma_wait3A_549 : memref<400x128xf32, #tpu.memory_space<hbm>>)
      %dma_start3A_550 = arith.constant 0 : i32
      %dma_start3A_551 = tpu.memref_slice %arg4[%add3A_535, %dma_start3A_550] : memref<3276800x128xf32, #tpu.memory_space<hbm>> -> memref<400x128xf32, #tpu.memory_space<hbm>>
      %dma_start3A_552 = arith.constant 0 : i32
      %dma_start3A_553 = tpu.memref_slice %arg4[%add3A_535, %dma_start3A_552] : memref<3276800x128xf32, #tpu.memory_space<hbm>> -> memref<400x128xf32, #tpu.memory_space<hbm>>
      tpu.enqueue_dma source(%arg8 : memref<400x128xf32, #tpu.memory_space<vmem>>) target(%dma_start3A_553 : memref<400x128xf32, #tpu.memory_space<hbm>>) target_semaphore(%arg13 : memref<!tpu.dma_semaphore, #tpu.memory_space<semaphore_mem>>)
      %mul3A_554 = arith.constant 16 : i32
      %mul3A_555 = arith.muli %add3A_419, %mul3A_554 : i32
      %add3A_556 = arith.constant 5 : i32
      %add3A_557 = arith.addi %mul3A_555, %add3A_556 : i32
      %add3A_558 = arith.constant 2000 : i32
      %add3A_559 = arith.addi %add3A_424, %add3A_558 : i32
      %dma_start3A_560 = arith.constant 2000 : i32
      %dma_start3A_561 = tpu.memref_slice %arg7[%dma_start3A_560] : memref<6400xi32, #tpu.memory_space<vmem>> -> memref<400xi32, #tpu.memory_space<vmem>>
      %dma_start3A_562 = arith.constant 0 : i32
      %dma_start3A_563 = arith.constant 0 : i32
      %dma_start3A_564 = tpu.memref_slice %arg5[%dma_start3A_562, %dma_start3A_563] : memref<129x128xf32, #tpu.memory_space<vmem_shared>> -> memref<129x128xf32, #tpu.memory_space<vmem_shared>>
      tpu.enqueue_indirect_dma source(%dma_start3A_564 : memref<129x128xf32, #tpu.memory_space<vmem_shared>>) target(%arg9 : memref<400x128xf32, #tpu.memory_space<vmem>>) offsets(%dma_start3A_561 : memref<400xi32, #tpu.memory_space<vmem>>) semaphore(%arg12 : memref<!tpu.dma_semaphore, #tpu.memory_space<semaphore_mem>>)
      %dma_wait3A_565 = arith.constant 2000 : i32
      %dma_wait3A_566 = tpu.memref_slice %arg7[%dma_wait3A_565] : memref<6400xi32, #tpu.memory_space<vmem>> -> memref<400xi32, #tpu.memory_space<vmem>>
      %dma_wait3A_567 = arith.constant 0 : i32
      %dma_wait3A_568 = arith.constant 0 : i32
      %dma_wait3A_569 = tpu.memref_slice %arg5[%dma_wait3A_567, %dma_wait3A_568] : memref<129x128xf32, #tpu.memory_space<vmem_shared>> -> memref<129x128xf32, #tpu.memory_space<vmem_shared>>
      tpu.wait_indirect_dma semaphore(%arg12 : memref<!tpu.dma_semaphore, #tpu.memory_space<semaphore_mem>>) src(%dma_wait3A_569 : memref<129x128xf32, #tpu.memory_space<vmem_shared>>) dst(%arg9 : memref<400x128xf32, #tpu.memory_space<vmem>>)
      %dma_wait3A_570 = arith.constant 0 : i32
      %dma_wait3A_571 = tpu.memref_slice %arg4[%mul3A_2, %dma_wait3A_570] : memref<3276800x128xf32, #tpu.memory_space<hbm>> -> memref<400x128xf32, #tpu.memory_space<hbm>>
      %dma_wait3A_572 = arith.constant 0 : i32
      %dma_wait3A_573 = tpu.memref_slice %arg4[%mul3A_2, %dma_wait3A_572] : memref<3276800x128xf32, #tpu.memory_space<hbm>> -> memref<400x128xf32, #tpu.memory_space<hbm>>
      tpu.wait_dma2 semaphore(%arg13 : memref<!tpu.dma_semaphore, #tpu.memory_space<semaphore_mem>>) src(%arg8 : memref<400x128xf32, #tpu.memory_space<vmem>>) dst(%dma_wait3A_573 : memref<400x128xf32, #tpu.memory_space<hbm>>)
      %dma_start3A_574 = arith.constant 0 : i32
      %dma_start3A_575 = tpu.memref_slice %arg4[%add3A_559, %dma_start3A_574] : memref<3276800x128xf32, #tpu.memory_space<hbm>> -> memref<400x128xf32, #tpu.memory_space<hbm>>
      %dma_start3A_576 = arith.constant 0 : i32
      %dma_start3A_577 = tpu.memref_slice %arg4[%add3A_559, %dma_start3A_576] : memref<3276800x128xf32, #tpu.memory_space<hbm>> -> memref<400x128xf32, #tpu.memory_space<hbm>>
      tpu.enqueue_dma source(%arg9 : memref<400x128xf32, #tpu.memory_space<vmem>>) target(%dma_start3A_577 : memref<400x128xf32, #tpu.memory_space<hbm>>) target_semaphore(%arg13 : memref<!tpu.dma_semaphore, #tpu.memory_space<semaphore_mem>>)
      %mul3A_578 = arith.constant 16 : i32
      %mul3A_579 = arith.muli %add3A_419, %mul3A_578 : i32
      %add3A_580 = arith.constant 6 : i32
      %add3A_581 = arith.addi %mul3A_579, %add3A_580 : i32
      %add3A_582 = arith.constant 2400 : i32
      %add3A_583 = arith.addi %add3A_424, %add3A_582 : i32
      %dma_start3A_584 = arith.constant 2400 : i32
      %dma_start3A_585 = tpu.memref_slice %arg7[%dma_start3A_584] : memref<6400xi32, #tpu.memory_space<vmem>> -> memref<400xi32, #tpu.memory_space<vmem>>
      %dma_start3A_586 = arith.constant 0 : i32
      %dma_start3A_587 = arith.constant 0 : i32
      %dma_start3A_588 = tpu.memref_slice %arg5[%dma_start3A_586, %dma_start3A_587] : memref<129x128xf32, #tpu.memory_space<vmem_shared>> -> memref<129x128xf32, #tpu.memory_space<vmem_shared>>
      tpu.enqueue_indirect_dma source(%dma_start3A_588 : memref<129x128xf32, #tpu.memory_space<vmem_shared>>) target(%arg8 : memref<400x128xf32, #tpu.memory_space<vmem>>) offsets(%dma_start3A_585 : memref<400xi32, #tpu.memory_space<vmem>>) semaphore(%arg12 : memref<!tpu.dma_semaphore, #tpu.memory_space<semaphore_mem>>)
      %dma_wait3A_589 = arith.constant 2400 : i32
      %dma_wait3A_590 = tpu.memref_slice %arg7[%dma_wait3A_589] : memref<6400xi32, #tpu.memory_space<vmem>> -> memref<400xi32, #tpu.memory_space<vmem>>
      %dma_wait3A_591 = arith.constant 0 : i32
      %dma_wait3A_592 = arith.constant 0 : i32
      %dma_wait3A_593 = tpu.memref_slice %arg5[%dma_wait3A_591, %dma_wait3A_592] : memref<129x128xf32, #tpu.memory_space<vmem_shared>> -> memref<129x128xf32, #tpu.memory_space<vmem_shared>>
      tpu.wait_indirect_dma semaphore(%arg12 : memref<!tpu.dma_semaphore, #tpu.memory_space<semaphore_mem>>) src(%dma_wait3A_593 : memref<129x128xf32, #tpu.memory_space<vmem_shared>>) dst(%arg8 : memref<400x128xf32, #tpu.memory_space<vmem>>)
      %dma_wait3A_594 = arith.constant 0 : i32
      %dma_wait3A_595 = tpu.memref_slice %arg4[%mul3A_2, %dma_wait3A_594] : memref<3276800x128xf32, #tpu.memory_space<hbm>> -> memref<400x128xf32, #tpu.memory_space<hbm>>
      %dma_wait3A_596 = arith.constant 0 : i32
      %dma_wait3A_597 = tpu.memref_slice %arg4[%mul3A_2, %dma_wait3A_596] : memref<3276800x128xf32, #tpu.memory_space<hbm>> -> memref<400x128xf32, #tpu.memory_space<hbm>>
      tpu.wait_dma2 semaphore(%arg13 : memref<!tpu.dma_semaphore, #tpu.memory_space<semaphore_mem>>) src(%arg9 : memref<400x128xf32, #tpu.memory_space<vmem>>) dst(%dma_wait3A_597 : memref<400x128xf32, #tpu.memory_space<hbm>>)
      %dma_start3A_598 = arith.constant 0 : i32
      %dma_start3A_599 = tpu.memref_slice %arg4[%add3A_583, %dma_start3A_598] : memref<3276800x128xf32, #tpu.memory_space<hbm>> -> memref<400x128xf32, #tpu.memory_space<hbm>>
      %dma_start3A_600 = arith.constant 0 : i32
      %dma_start3A_601 = tpu.memref_slice %arg4[%add3A_583, %dma_start3A_600] : memref<3276800x128xf32, #tpu.memory_space<hbm>> -> memref<400x128xf32, #tpu.memory_space<hbm>>
      tpu.enqueue_dma source(%arg8 : memref<400x128xf32, #tpu.memory_space<vmem>>) target(%dma_start3A_601 : memref<400x128xf32, #tpu.memory_space<hbm>>) target_semaphore(%arg13 : memref<!tpu.dma_semaphore, #tpu.memory_space<semaphore_mem>>)
      %mul3A_602 = arith.constant 16 : i32
      %mul3A_603 = arith.muli %add3A_419, %mul3A_602 : i32
      %add3A_604 = arith.constant 7 : i32
      %add3A_605 = arith.addi %mul3A_603, %add3A_604 : i32
      %add3A_606 = arith.constant 2800 : i32
      %add3A_607 = arith.addi %add3A_424, %add3A_606 : i32
      %dma_start3A_608 = arith.constant 2800 : i32
      %dma_start3A_609 = tpu.memref_slice %arg7[%dma_start3A_608] : memref<6400xi32, #tpu.memory_space<vmem>> -> memref<400xi32, #tpu.memory_space<vmem>>
      %dma_start3A_610 = arith.constant 0 : i32
      %dma_start3A_611 = arith.constant 0 : i32
      %dma_start3A_612 = tpu.memref_slice %arg5[%dma_start3A_610, %dma_start3A_611] : memref<129x128xf32, #tpu.memory_space<vmem_shared>> -> memref<129x128xf32, #tpu.memory_space<vmem_shared>>
      tpu.enqueue_indirect_dma source(%dma_start3A_612 : memref<129x128xf32, #tpu.memory_space<vmem_shared>>) target(%arg9 : memref<400x128xf32, #tpu.memory_space<vmem>>) offsets(%dma_start3A_609 : memref<400xi32, #tpu.memory_space<vmem>>) semaphore(%arg12 : memref<!tpu.dma_semaphore, #tpu.memory_space<semaphore_mem>>)
      %dma_wait3A_613 = arith.constant 2800 : i32
      %dma_wait3A_614 = tpu.memref_slice %arg7[%dma_wait3A_613] : memref<6400xi32, #tpu.memory_space<vmem>> -> memref<400xi32, #tpu.memory_space<vmem>>
      %dma_wait3A_615 = arith.constant 0 : i32
      %dma_wait3A_616 = arith.constant 0 : i32
      %dma_wait3A_617 = tpu.memref_slice %arg5[%dma_wait3A_615, %dma_wait3A_616] : memref<129x128xf32, #tpu.memory_space<vmem_shared>> -> memref<129x128xf32, #tpu.memory_space<vmem_shared>>
      tpu.wait_indirect_dma semaphore(%arg12 : memref<!tpu.dma_semaphore, #tpu.memory_space<semaphore_mem>>) src(%dma_wait3A_617 : memref<129x128xf32, #tpu.memory_space<vmem_shared>>) dst(%arg9 : memref<400x128xf32, #tpu.memory_space<vmem>>)
      %dma_wait3A_618 = arith.constant 0 : i32
      %dma_wait3A_619 = tpu.memref_slice %arg4[%mul3A_2, %dma_wait3A_618] : memref<3276800x128xf32, #tpu.memory_space<hbm>> -> memref<400x128xf32, #tpu.memory_space<hbm>>
      %dma_wait3A_620 = arith.constant 0 : i32
      %dma_wait3A_621 = tpu.memref_slice %arg4[%mul3A_2, %dma_wait3A_620] : memref<3276800x128xf32, #tpu.memory_space<hbm>> -> memref<400x128xf32, #tpu.memory_space<hbm>>
      tpu.wait_dma2 semaphore(%arg13 : memref<!tpu.dma_semaphore, #tpu.memory_space<semaphore_mem>>) src(%arg8 : memref<400x128xf32, #tpu.memory_space<vmem>>) dst(%dma_wait3A_621 : memref<400x128xf32, #tpu.memory_space<hbm>>)
      %dma_start3A_622 = arith.constant 0 : i32
      %dma_start3A_623 = tpu.memref_slice %arg4[%add3A_607, %dma_start3A_622] : memref<3276800x128xf32, #tpu.memory_space<hbm>> -> memref<400x128xf32, #tpu.memory_space<hbm>>
      %dma_start3A_624 = arith.constant 0 : i32
      %dma_start3A_625 = tpu.memref_slice %arg4[%add3A_607, %dma_start3A_624] : memref<3276800x128xf32, #tpu.memory_space<hbm>> -> memref<400x128xf32, #tpu.memory_space<hbm>>
      tpu.enqueue_dma source(%arg9 : memref<400x128xf32, #tpu.memory_space<vmem>>) target(%dma_start3A_625 : memref<400x128xf32, #tpu.memory_space<hbm>>) target_semaphore(%arg13 : memref<!tpu.dma_semaphore, #tpu.memory_space<semaphore_mem>>)
      %mul3A_626 = arith.constant 16 : i32
      %mul3A_627 = arith.muli %add3A_419, %mul3A_626 : i32
      %add3A_628 = arith.constant 8 : i32
      %add3A_629 = arith.addi %mul3A_627, %add3A_628 : i32
      %add3A_630 = arith.constant 3200 : i32
      %add3A_631 = arith.addi %add3A_424, %add3A_630 : i32
      %dma_start3A_632 = arith.constant 3200 : i32
      %dma_start3A_633 = tpu.memref_slice %arg7[%dma_start3A_632] : memref<6400xi32, #tpu.memory_space<vmem>> -> memref<400xi32, #tpu.memory_space<vmem>>
      %dma_start3A_634 = arith.constant 0 : i32
      %dma_start3A_635 = arith.constant 0 : i32
      %dma_start3A_636 = tpu.memref_slice %arg5[%dma_start3A_634, %dma_start3A_635] : memref<129x128xf32, #tpu.memory_space<vmem_shared>> -> memref<129x128xf32, #tpu.memory_space<vmem_shared>>
      tpu.enqueue_indirect_dma source(%dma_start3A_636 : memref<129x128xf32, #tpu.memory_space<vmem_shared>>) target(%arg8 : memref<400x128xf32, #tpu.memory_space<vmem>>) offsets(%dma_start3A_633 : memref<400xi32, #tpu.memory_space<vmem>>) semaphore(%arg12 : memref<!tpu.dma_semaphore, #tpu.memory_space<semaphore_mem>>)
      %dma_wait3A_637 = arith.constant 3200 : i32
      %dma_wait3A_638 = tpu.memref_slice %arg7[%dma_wait3A_637] : memref<6400xi32, #tpu.memory_space<vmem>> -> memref<400xi32, #tpu.memory_space<vmem>>
      %dma_wait3A_639 = arith.constant 0 : i32
      %dma_wait3A_640 = arith.constant 0 : i32
      %dma_wait3A_641 = tpu.memref_slice %arg5[%dma_wait3A_639, %dma_wait3A_640] : memref<129x128xf32, #tpu.memory_space<vmem_shared>> -> memref<129x128xf32, #tpu.memory_space<vmem_shared>>
      tpu.wait_indirect_dma semaphore(%arg12 : memref<!tpu.dma_semaphore, #tpu.memory_space<semaphore_mem>>) src(%dma_wait3A_641 : memref<129x128xf32, #tpu.memory_space<vmem_shared>>) dst(%arg8 : memref<400x128xf32, #tpu.memory_space<vmem>>)
      %dma_wait3A_642 = arith.constant 0 : i32
      %dma_wait3A_643 = tpu.memref_slice %arg4[%mul3A_2, %dma_wait3A_642] : memref<3276800x128xf32, #tpu.memory_space<hbm>> -> memref<400x128xf32, #tpu.memory_space<hbm>>
      %dma_wait3A_644 = arith.constant 0 : i32
      %dma_wait3A_645 = tpu.memref_slice %arg4[%mul3A_2, %dma_wait3A_644] : memref<3276800x128xf32, #tpu.memory_space<hbm>> -> memref<400x128xf32, #tpu.memory_space<hbm>>
      tpu.wait_dma2 semaphore(%arg13 : memref<!tpu.dma_semaphore, #tpu.memory_space<semaphore_mem>>) src(%arg9 : memref<400x128xf32, #tpu.memory_space<vmem>>) dst(%dma_wait3A_645 : memref<400x128xf32, #tpu.memory_space<hbm>>)
      %dma_start3A_646 = arith.constant 0 : i32
      %dma_start3A_647 = tpu.memref_slice %arg4[%add3A_631, %dma_start3A_646] : memref<3276800x128xf32, #tpu.memory_space<hbm>> -> memref<400x128xf32, #tpu.memory_space<hbm>>
      %dma_start3A_648 = arith.constant 0 : i32
      %dma_start3A_649 = tpu.memref_slice %arg4[%add3A_631, %dma_start3A_648] : memref<3276800x128xf32, #tpu.memory_space<hbm>> -> memref<400x128xf32, #tpu.memory_space<hbm>>
      tpu.enqueue_dma source(%arg8 : memref<400x128xf32, #tpu.memory_space<vmem>>) target(%dma_start3A_649 : memref<400x128xf32, #tpu.memory_space<hbm>>) target_semaphore(%arg13 : memref<!tpu.dma_semaphore, #tpu.memory_space<semaphore_mem>>)
      %mul3A_650 = arith.constant 16 : i32
      %mul3A_651 = arith.muli %add3A_419, %mul3A_650 : i32
      %add3A_652 = arith.constant 9 : i32
      %add3A_653 = arith.addi %mul3A_651, %add3A_652 : i32
      %add3A_654 = arith.constant 3600 : i32
      %add3A_655 = arith.addi %add3A_424, %add3A_654 : i32
      %dma_start3A_656 = arith.constant 3600 : i32
      %dma_start3A_657 = tpu.memref_slice %arg7[%dma_start3A_656] : memref<6400xi32, #tpu.memory_space<vmem>> -> memref<400xi32, #tpu.memory_space<vmem>>
      %dma_start3A_658 = arith.constant 0 : i32
      %dma_start3A_659 = arith.constant 0 : i32
      %dma_start3A_660 = tpu.memref_slice %arg5[%dma_start3A_658, %dma_start3A_659] : memref<129x128xf32, #tpu.memory_space<vmem_shared>> -> memref<129x128xf32, #tpu.memory_space<vmem_shared>>
      tpu.enqueue_indirect_dma source(%dma_start3A_660 : memref<129x128xf32, #tpu.memory_space<vmem_shared>>) target(%arg9 : memref<400x128xf32, #tpu.memory_space<vmem>>) offsets(%dma_start3A_657 : memref<400xi32, #tpu.memory_space<vmem>>) semaphore(%arg12 : memref<!tpu.dma_semaphore, #tpu.memory_space<semaphore_mem>>)
      %dma_wait3A_661 = arith.constant 3600 : i32
      %dma_wait3A_662 = tpu.memref_slice %arg7[%dma_wait3A_661] : memref<6400xi32, #tpu.memory_space<vmem>> -> memref<400xi32, #tpu.memory_space<vmem>>
      %dma_wait3A_663 = arith.constant 0 : i32
      %dma_wait3A_664 = arith.constant 0 : i32
      %dma_wait3A_665 = tpu.memref_slice %arg5[%dma_wait3A_663, %dma_wait3A_664] : memref<129x128xf32, #tpu.memory_space<vmem_shared>> -> memref<129x128xf32, #tpu.memory_space<vmem_shared>>
      tpu.wait_indirect_dma semaphore(%arg12 : memref<!tpu.dma_semaphore, #tpu.memory_space<semaphore_mem>>) src(%dma_wait3A_665 : memref<129x128xf32, #tpu.memory_space<vmem_shared>>) dst(%arg9 : memref<400x128xf32, #tpu.memory_space<vmem>>)
      %dma_wait3A_666 = arith.constant 0 : i32
      %dma_wait3A_667 = tpu.memref_slice %arg4[%mul3A_2, %dma_wait3A_666] : memref<3276800x128xf32, #tpu.memory_space<hbm>> -> memref<400x128xf32, #tpu.memory_space<hbm>>
      %dma_wait3A_668 = arith.constant 0 : i32
      %dma_wait3A_669 = tpu.memref_slice %arg4[%mul3A_2, %dma_wait3A_668] : memref<3276800x128xf32, #tpu.memory_space<hbm>> -> memref<400x128xf32, #tpu.memory_space<hbm>>
      tpu.wait_dma2 semaphore(%arg13 : memref<!tpu.dma_semaphore, #tpu.memory_space<semaphore_mem>>) src(%arg8 : memref<400x128xf32, #tpu.memory_space<vmem>>) dst(%dma_wait3A_669 : memref<400x128xf32, #tpu.memory_space<hbm>>)
      %dma_start3A_670 = arith.constant 0 : i32
      %dma_start3A_671 = tpu.memref_slice %arg4[%add3A_655, %dma_start3A_670] : memref<3276800x128xf32, #tpu.memory_space<hbm>> -> memref<400x128xf32, #tpu.memory_space<hbm>>
      %dma_start3A_672 = arith.constant 0 : i32
      %dma_start3A_673 = tpu.memref_slice %arg4[%add3A_655, %dma_start3A_672] : memref<3276800x128xf32, #tpu.memory_space<hbm>> -> memref<400x128xf32, #tpu.memory_space<hbm>>
      tpu.enqueue_dma source(%arg9 : memref<400x128xf32, #tpu.memory_space<vmem>>) target(%dma_start3A_673 : memref<400x128xf32, #tpu.memory_space<hbm>>) target_semaphore(%arg13 : memref<!tpu.dma_semaphore, #tpu.memory_space<semaphore_mem>>)
      %mul3A_674 = arith.constant 16 : i32
      %mul3A_675 = arith.muli %add3A_419, %mul3A_674 : i32
      %add3A_676 = arith.constant 10 : i32
      %add3A_677 = arith.addi %mul3A_675, %add3A_676 : i32
      %add3A_678 = arith.constant 4000 : i32
      %add3A_679 = arith.addi %add3A_424, %add3A_678 : i32
      %dma_start3A_680 = arith.constant 4000 : i32
      %dma_start3A_681 = tpu.memref_slice %arg7[%dma_start3A_680] : memref<6400xi32, #tpu.memory_space<vmem>> -> memref<400xi32, #tpu.memory_space<vmem>>
      %dma_start3A_682 = arith.constant 0 : i32
      %dma_start3A_683 = arith.constant 0 : i32
      %dma_start3A_684 = tpu.memref_slice %arg5[%dma_start3A_682, %dma_start3A_683] : memref<129x128xf32, #tpu.memory_space<vmem_shared>> -> memref<129x128xf32, #tpu.memory_space<vmem_shared>>
      tpu.enqueue_indirect_dma source(%dma_start3A_684 : memref<129x128xf32, #tpu.memory_space<vmem_shared>>) target(%arg8 : memref<400x128xf32, #tpu.memory_space<vmem>>) offsets(%dma_start3A_681 : memref<400xi32, #tpu.memory_space<vmem>>) semaphore(%arg12 : memref<!tpu.dma_semaphore, #tpu.memory_space<semaphore_mem>>)
      %dma_wait3A_685 = arith.constant 4000 : i32
      %dma_wait3A_686 = tpu.memref_slice %arg7[%dma_wait3A_685] : memref<6400xi32, #tpu.memory_space<vmem>> -> memref<400xi32, #tpu.memory_space<vmem>>
      %dma_wait3A_687 = arith.constant 0 : i32
      %dma_wait3A_688 = arith.constant 0 : i32
      %dma_wait3A_689 = tpu.memref_slice %arg5[%dma_wait3A_687, %dma_wait3A_688] : memref<129x128xf32, #tpu.memory_space<vmem_shared>> -> memref<129x128xf32, #tpu.memory_space<vmem_shared>>
      tpu.wait_indirect_dma semaphore(%arg12 : memref<!tpu.dma_semaphore, #tpu.memory_space<semaphore_mem>>) src(%dma_wait3A_689 : memref<129x128xf32, #tpu.memory_space<vmem_shared>>) dst(%arg8 : memref<400x128xf32, #tpu.memory_space<vmem>>)
      %dma_wait3A_690 = arith.constant 0 : i32
      %dma_wait3A_691 = tpu.memref_slice %arg4[%mul3A_2, %dma_wait3A_690] : memref<3276800x128xf32, #tpu.memory_space<hbm>> -> memref<400x128xf32, #tpu.memory_space<hbm>>
      %dma_wait3A_692 = arith.constant 0 : i32
      %dma_wait3A_693 = tpu.memref_slice %arg4[%mul3A_2, %dma_wait3A_692] : memref<3276800x128xf32, #tpu.memory_space<hbm>> -> memref<400x128xf32, #tpu.memory_space<hbm>>
      tpu.wait_dma2 semaphore(%arg13 : memref<!tpu.dma_semaphore, #tpu.memory_space<semaphore_mem>>) src(%arg9 : memref<400x128xf32, #tpu.memory_space<vmem>>) dst(%dma_wait3A_693 : memref<400x128xf32, #tpu.memory_space<hbm>>)
      %dma_start3A_694 = arith.constant 0 : i32
      %dma_start3A_695 = tpu.memref_slice %arg4[%add3A_679, %dma_start3A_694] : memref<3276800x128xf32, #tpu.memory_space<hbm>> -> memref<400x128xf32, #tpu.memory_space<hbm>>
      %dma_start3A_696 = arith.constant 0 : i32
      %dma_start3A_697 = tpu.memref_slice %arg4[%add3A_679, %dma_start3A_696] : memref<3276800x128xf32, #tpu.memory_space<hbm>> -> memref<400x128xf32, #tpu.memory_space<hbm>>
      tpu.enqueue_dma source(%arg8 : memref<400x128xf32, #tpu.memory_space<vmem>>) target(%dma_start3A_697 : memref<400x128xf32, #tpu.memory_space<hbm>>) target_semaphore(%arg13 : memref<!tpu.dma_semaphore, #tpu.memory_space<semaphore_mem>>)
      %mul3A_698 = arith.constant 16 : i32
      %mul3A_699 = arith.muli %add3A_419, %mul3A_698 : i32
      %add3A_700 = arith.constant 11 : i32
      %add3A_701 = arith.addi %mul3A_699, %add3A_700 : i32
      %add3A_702 = arith.constant 4400 : i32
      %add3A_703 = arith.addi %add3A_424, %add3A_702 : i32
      %dma_start3A_704 = arith.constant 4400 : i32
      %dma_start3A_705 = tpu.memref_slice %arg7[%dma_start3A_704] : memref<6400xi32, #tpu.memory_space<vmem>> -> memref<400xi32, #tpu.memory_space<vmem>>
      %dma_start3A_706 = arith.constant 0 : i32
      %dma_start3A_707 = arith.constant 0 : i32
      %dma_start3A_708 = tpu.memref_slice %arg5[%dma_start3A_706, %dma_start3A_707] : memref<129x128xf32, #tpu.memory_space<vmem_shared>> -> memref<129x128xf32, #tpu.memory_space<vmem_shared>>
      tpu.enqueue_indirect_dma source(%dma_start3A_708 : memref<129x128xf32, #tpu.memory_space<vmem_shared>>) target(%arg9 : memref<400x128xf32, #tpu.memory_space<vmem>>) offsets(%dma_start3A_705 : memref<400xi32, #tpu.memory_space<vmem>>) semaphore(%arg12 : memref<!tpu.dma_semaphore, #tpu.memory_space<semaphore_mem>>)
      %dma_wait3A_709 = arith.constant 4400 : i32
      %dma_wait3A_710 = tpu.memref_slice %arg7[%dma_wait3A_709] : memref<6400xi32, #tpu.memory_space<vmem>> -> memref<400xi32, #tpu.memory_space<vmem>>
      %dma_wait3A_711 = arith.constant 0 : i32
      %dma_wait3A_712 = arith.constant 0 : i32
      %dma_wait3A_713 = tpu.memref_slice %arg5[%dma_wait3A_711, %dma_wait3A_712] : memref<129x128xf32, #tpu.memory_space<vmem_shared>> -> memref<129x128xf32, #tpu.memory_space<vmem_shared>>
      tpu.wait_indirect_dma semaphore(%arg12 : memref<!tpu.dma_semaphore, #tpu.memory_space<semaphore_mem>>) src(%dma_wait3A_713 : memref<129x128xf32, #tpu.memory_space<vmem_shared>>) dst(%arg9 : memref<400x128xf32, #tpu.memory_space<vmem>>)
      %dma_wait3A_714 = arith.constant 0 : i32
      %dma_wait3A_715 = tpu.memref_slice %arg4[%mul3A_2, %dma_wait3A_714] : memref<3276800x128xf32, #tpu.memory_space<hbm>> -> memref<400x128xf32, #tpu.memory_space<hbm>>
      %dma_wait3A_716 = arith.constant 0 : i32
      %dma_wait3A_717 = tpu.memref_slice %arg4[%mul3A_2, %dma_wait3A_716] : memref<3276800x128xf32, #tpu.memory_space<hbm>> -> memref<400x128xf32, #tpu.memory_space<hbm>>
      tpu.wait_dma2 semaphore(%arg13 : memref<!tpu.dma_semaphore, #tpu.memory_space<semaphore_mem>>) src(%arg8 : memref<400x128xf32, #tpu.memory_space<vmem>>) dst(%dma_wait3A_717 : memref<400x128xf32, #tpu.memory_space<hbm>>)
      %dma_start3A_718 = arith.constant 0 : i32
      %dma_start3A_719 = tpu.memref_slice %arg4[%add3A_703, %dma_start3A_718] : memref<3276800x128xf32, #tpu.memory_space<hbm>> -> memref<400x128xf32, #tpu.memory_space<hbm>>
      %dma_start3A_720 = arith.constant 0 : i32
      %dma_start3A_721 = tpu.memref_slice %arg4[%add3A_703, %dma_start3A_720] : memref<3276800x128xf32, #tpu.memory_space<hbm>> -> memref<400x128xf32, #tpu.memory_space<hbm>>
      tpu.enqueue_dma source(%arg9 : memref<400x128xf32, #tpu.memory_space<vmem>>) target(%dma_start3A_721 : memref<400x128xf32, #tpu.memory_space<hbm>>) target_semaphore(%arg13 : memref<!tpu.dma_semaphore, #tpu.memory_space<semaphore_mem>>)
      %mul3A_722 = arith.constant 16 : i32
      %mul3A_723 = arith.muli %add3A_419, %mul3A_722 : i32
      %add3A_724 = arith.constant 12 : i32
      %add3A_725 = arith.addi %mul3A_723, %add3A_724 : i32
      %add3A_726 = arith.constant 4800 : i32
      %add3A_727 = arith.addi %add3A_424, %add3A_726 : i32
      %dma_start3A_728 = arith.constant 4800 : i32
      %dma_start3A_729 = tpu.memref_slice %arg7[%dma_start3A_728] : memref<6400xi32, #tpu.memory_space<vmem>> -> memref<400xi32, #tpu.memory_space<vmem>>
      %dma_start3A_730 = arith.constant 0 : i32
      %dma_start3A_731 = arith.constant 0 : i32
      %dma_start3A_732 = tpu.memref_slice %arg5[%dma_start3A_730, %dma_start3A_731] : memref<129x128xf32, #tpu.memory_space<vmem_shared>> -> memref<129x128xf32, #tpu.memory_space<vmem_shared>>
      tpu.enqueue_indirect_dma source(%dma_start3A_732 : memref<129x128xf32, #tpu.memory_space<vmem_shared>>) target(%arg8 : memref<400x128xf32, #tpu.memory_space<vmem>>) offsets(%dma_start3A_729 : memref<400xi32, #tpu.memory_space<vmem>>) semaphore(%arg12 : memref<!tpu.dma_semaphore, #tpu.memory_space<semaphore_mem>>)
      %dma_wait3A_733 = arith.constant 4800 : i32
      %dma_wait3A_734 = tpu.memref_slice %arg7[%dma_wait3A_733] : memref<6400xi32, #tpu.memory_space<vmem>> -> memref<400xi32, #tpu.memory_space<vmem>>
      %dma_wait3A_735 = arith.constant 0 : i32
      %dma_wait3A_736 = arith.constant 0 : i32
      %dma_wait3A_737 = tpu.memref_slice %arg5[%dma_wait3A_735, %dma_wait3A_736] : memref<129x128xf32, #tpu.memory_space<vmem_shared>> -> memref<129x128xf32, #tpu.memory_space<vmem_shared>>
      tpu.wait_indirect_dma semaphore(%arg12 : memref<!tpu.dma_semaphore, #tpu.memory_space<semaphore_mem>>) src(%dma_wait3A_737 : memref<129x128xf32, #tpu.memory_space<vmem_shared>>) dst(%arg8 : memref<400x128xf32, #tpu.memory_space<vmem>>)
      %dma_wait3A_738 = arith.constant 0 : i32
      %dma_wait3A_739 = tpu.memref_slice %arg4[%mul3A_2, %dma_wait3A_738] : memref<3276800x128xf32, #tpu.memory_space<hbm>> -> memref<400x128xf32, #tpu.memory_space<hbm>>
      %dma_wait3A_740 = arith.constant 0 : i32
      %dma_wait3A_741 = tpu.memref_slice %arg4[%mul3A_2, %dma_wait3A_740] : memref<3276800x128xf32, #tpu.memory_space<hbm>> -> memref<400x128xf32, #tpu.memory_space<hbm>>
      tpu.wait_dma2 semaphore(%arg13 : memref<!tpu.dma_semaphore, #tpu.memory_space<semaphore_mem>>) src(%arg9 : memref<400x128xf32, #tpu.memory_space<vmem>>) dst(%dma_wait3A_741 : memref<400x128xf32, #tpu.memory_space<hbm>>)
      %dma_start3A_742 = arith.constant 0 : i32
      %dma_start3A_743 = tpu.memref_slice %arg4[%add3A_727, %dma_start3A_742] : memref<3276800x128xf32, #tpu.memory_space<hbm>> -> memref<400x128xf32, #tpu.memory_space<hbm>>
      %dma_start3A_744 = arith.constant 0 : i32
      %dma_start3A_745 = tpu.memref_slice %arg4[%add3A_727, %dma_start3A_744] : memref<3276800x128xf32, #tpu.memory_space<hbm>> -> memref<400x128xf32, #tpu.memory_space<hbm>>
      tpu.enqueue_dma source(%arg8 : memref<400x128xf32, #tpu.memory_space<vmem>>) target(%dma_start3A_745 : memref<400x128xf32, #tpu.memory_space<hbm>>) target_semaphore(%arg13 : memref<!tpu.dma_semaphore, #tpu.memory_space<semaphore_mem>>)
      %mul3A_746 = arith.constant 16 : i32
      %mul3A_747 = arith.muli %add3A_419, %mul3A_746 : i32
      %add3A_748 = arith.constant 13 : i32
      %add3A_749 = arith.addi %mul3A_747, %add3A_748 : i32
      %add3A_750 = arith.constant 5200 : i32
      %add3A_751 = arith.addi %add3A_424, %add3A_750 : i32
      %dma_start3A_752 = arith.constant 5200 : i32
      %dma_start3A_753 = tpu.memref_slice %arg7[%dma_start3A_752] : memref<6400xi32, #tpu.memory_space<vmem>> -> memref<400xi32, #tpu.memory_space<vmem>>
      %dma_start3A_754 = arith.constant 0 : i32
      %dma_start3A_755 = arith.constant 0 : i32
      %dma_start3A_756 = tpu.memref_slice %arg5[%dma_start3A_754, %dma_start3A_755] : memref<129x128xf32, #tpu.memory_space<vmem_shared>> -> memref<129x128xf32, #tpu.memory_space<vmem_shared>>
      tpu.enqueue_indirect_dma source(%dma_start3A_756 : memref<129x128xf32, #tpu.memory_space<vmem_shared>>) target(%arg9 : memref<400x128xf32, #tpu.memory_space<vmem>>) offsets(%dma_start3A_753 : memref<400xi32, #tpu.memory_space<vmem>>) semaphore(%arg12 : memref<!tpu.dma_semaphore, #tpu.memory_space<semaphore_mem>>)
      %dma_wait3A_757 = arith.constant 5200 : i32
      %dma_wait3A_758 = tpu.memref_slice %arg7[%dma_wait3A_757] : memref<6400xi32, #tpu.memory_space<vmem>> -> memref<400xi32, #tpu.memory_space<vmem>>
      %dma_wait3A_759 = arith.constant 0 : i32
      %dma_wait3A_760 = arith.constant 0 : i32
      %dma_wait3A_761 = tpu.memref_slice %arg5[%dma_wait3A_759, %dma_wait3A_760] : memref<129x128xf32, #tpu.memory_space<vmem_shared>> -> memref<129x128xf32, #tpu.memory_space<vmem_shared>>
      tpu.wait_indirect_dma semaphore(%arg12 : memref<!tpu.dma_semaphore, #tpu.memory_space<semaphore_mem>>) src(%dma_wait3A_761 : memref<129x128xf32, #tpu.memory_space<vmem_shared>>) dst(%arg9 : memref<400x128xf32, #tpu.memory_space<vmem>>)
      %dma_wait3A_762 = arith.constant 0 : i32
      %dma_wait3A_763 = tpu.memref_slice %arg4[%mul3A_2, %dma_wait3A_762] : memref<3276800x128xf32, #tpu.memory_space<hbm>> -> memref<400x128xf32, #tpu.memory_space<hbm>>
      %dma_wait3A_764 = arith.constant 0 : i32
      %dma_wait3A_765 = tpu.memref_slice %arg4[%mul3A_2, %dma_wait3A_764] : memref<3276800x128xf32, #tpu.memory_space<hbm>> -> memref<400x128xf32, #tpu.memory_space<hbm>>
      tpu.wait_dma2 semaphore(%arg13 : memref<!tpu.dma_semaphore, #tpu.memory_space<semaphore_mem>>) src(%arg8 : memref<400x128xf32, #tpu.memory_space<vmem>>) dst(%dma_wait3A_765 : memref<400x128xf32, #tpu.memory_space<hbm>>)
      %dma_start3A_766 = arith.constant 0 : i32
      %dma_start3A_767 = tpu.memref_slice %arg4[%add3A_751, %dma_start3A_766] : memref<3276800x128xf32, #tpu.memory_space<hbm>> -> memref<400x128xf32, #tpu.memory_space<hbm>>
      %dma_start3A_768 = arith.constant 0 : i32
      %dma_start3A_769 = tpu.memref_slice %arg4[%add3A_751, %dma_start3A_768] : memref<3276800x128xf32, #tpu.memory_space<hbm>> -> memref<400x128xf32, #tpu.memory_space<hbm>>
      tpu.enqueue_dma source(%arg9 : memref<400x128xf32, #tpu.memory_space<vmem>>) target(%dma_start3A_769 : memref<400x128xf32, #tpu.memory_space<hbm>>) target_semaphore(%arg13 : memref<!tpu.dma_semaphore, #tpu.memory_space<semaphore_mem>>)
      %mul3A_770 = arith.constant 16 : i32
      %mul3A_771 = arith.muli %add3A_419, %mul3A_770 : i32
      %add3A_772 = arith.constant 14 : i32
      %add3A_773 = arith.addi %mul3A_771, %add3A_772 : i32
      %add3A_774 = arith.constant 5600 : i32
      %add3A_775 = arith.addi %add3A_424, %add3A_774 : i32
      %dma_start3A_776 = arith.constant 5600 : i32
      %dma_start3A_777 = tpu.memref_slice %arg7[%dma_start3A_776] : memref<6400xi32, #tpu.memory_space<vmem>> -> memref<400xi32, #tpu.memory_space<vmem>>
      %dma_start3A_778 = arith.constant 0 : i32
      %dma_start3A_779 = arith.constant 0 : i32
      %dma_start3A_780 = tpu.memref_slice %arg5[%dma_start3A_778, %dma_start3A_779] : memref<129x128xf32, #tpu.memory_space<vmem_shared>> -> memref<129x128xf32, #tpu.memory_space<vmem_shared>>
      tpu.enqueue_indirect_dma source(%dma_start3A_780 : memref<129x128xf32, #tpu.memory_space<vmem_shared>>) target(%arg8 : memref<400x128xf32, #tpu.memory_space<vmem>>) offsets(%dma_start3A_777 : memref<400xi32, #tpu.memory_space<vmem>>) semaphore(%arg12 : memref<!tpu.dma_semaphore, #tpu.memory_space<semaphore_mem>>)
      %dma_wait3A_781 = arith.constant 5600 : i32
      %dma_wait3A_782 = tpu.memref_slice %arg7[%dma_wait3A_781] : memref<6400xi32, #tpu.memory_space<vmem>> -> memref<400xi32, #tpu.memory_space<vmem>>
      %dma_wait3A_783 = arith.constant 0 : i32
      %dma_wait3A_784 = arith.constant 0 : i32
      %dma_wait3A_785 = tpu.memref_slice %arg5[%dma_wait3A_783, %dma_wait3A_784] : memref<129x128xf32, #tpu.memory_space<vmem_shared>> -> memref<129x128xf32, #tpu.memory_space<vmem_shared>>
      tpu.wait_indirect_dma semaphore(%arg12 : memref<!tpu.dma_semaphore, #tpu.memory_space<semaphore_mem>>) src(%dma_wait3A_785 : memref<129x128xf32, #tpu.memory_space<vmem_shared>>) dst(%arg8 : memref<400x128xf32, #tpu.memory_space<vmem>>)
      %dma_wait3A_786 = arith.constant 0 : i32
      %dma_wait3A_787 = tpu.memref_slice %arg4[%mul3A_2, %dma_wait3A_786] : memref<3276800x128xf32, #tpu.memory_space<hbm>> -> memref<400x128xf32, #tpu.memory_space<hbm>>
      %dma_wait3A_788 = arith.constant 0 : i32
      %dma_wait3A_789 = tpu.memref_slice %arg4[%mul3A_2, %dma_wait3A_788] : memref<3276800x128xf32, #tpu.memory_space<hbm>> -> memref<400x128xf32, #tpu.memory_space<hbm>>
      tpu.wait_dma2 semaphore(%arg13 : memref<!tpu.dma_semaphore, #tpu.memory_space<semaphore_mem>>) src(%arg9 : memref<400x128xf32, #tpu.memory_space<vmem>>) dst(%dma_wait3A_789 : memref<400x128xf32, #tpu.memory_space<hbm>>)
      %dma_start3A_790 = arith.constant 0 : i32
      %dma_start3A_791 = tpu.memref_slice %arg4[%add3A_775, %dma_start3A_790] : memref<3276800x128xf32, #tpu.memory_space<hbm>> -> memref<400x128xf32, #tpu.memory_space<hbm>>
      %dma_start3A_792 = arith.constant 0 : i32
      %dma_start3A_793 = tpu.memref_slice %arg4[%add3A_775, %dma_start3A_792] : memref<3276800x128xf32, #tpu.memory_space<hbm>> -> memref<400x128xf32, #tpu.memory_space<hbm>>
      tpu.enqueue_dma source(%arg8 : memref<400x128xf32, #tpu.memory_space<vmem>>) target(%dma_start3A_793 : memref<400x128xf32, #tpu.memory_space<hbm>>) target_semaphore(%arg13 : memref<!tpu.dma_semaphore, #tpu.memory_space<semaphore_mem>>)
      %mul3A_794 = arith.constant 16 : i32
      %mul3A_795 = arith.muli %add3A_419, %mul3A_794 : i32
      %add3A_796 = arith.constant 15 : i32
      %add3A_797 = arith.addi %mul3A_795, %add3A_796 : i32
      %add3A_798 = arith.constant 6000 : i32
      %add3A_799 = arith.addi %add3A_424, %add3A_798 : i32
      %dma_start3A_800 = arith.constant 6000 : i32
      %dma_start3A_801 = tpu.memref_slice %arg7[%dma_start3A_800] : memref<6400xi32, #tpu.memory_space<vmem>> -> memref<400xi32, #tpu.memory_space<vmem>>
      %dma_start3A_802 = arith.constant 0 : i32
      %dma_start3A_803 = arith.constant 0 : i32
      %dma_start3A_804 = tpu.memref_slice %arg5[%dma_start3A_802, %dma_start3A_803] : memref<129x128xf32, #tpu.memory_space<vmem_shared>> -> memref<129x128xf32, #tpu.memory_space<vmem_shared>>
      tpu.enqueue_indirect_dma source(%dma_start3A_804 : memref<129x128xf32, #tpu.memory_space<vmem_shared>>) target(%arg9 : memref<400x128xf32, #tpu.memory_space<vmem>>) offsets(%dma_start3A_801 : memref<400xi32, #tpu.memory_space<vmem>>) semaphore(%arg12 : memref<!tpu.dma_semaphore, #tpu.memory_space<semaphore_mem>>)
      %dma_wait3A_805 = arith.constant 6000 : i32
      %dma_wait3A_806 = tpu.memref_slice %arg7[%dma_wait3A_805] : memref<6400xi32, #tpu.memory_space<vmem>> -> memref<400xi32, #tpu.memory_space<vmem>>
      %dma_wait3A_807 = arith.constant 0 : i32
      %dma_wait3A_808 = arith.constant 0 : i32
      %dma_wait3A_809 = tpu.memref_slice %arg5[%dma_wait3A_807, %dma_wait3A_808] : memref<129x128xf32, #tpu.memory_space<vmem_shared>> -> memref<129x128xf32, #tpu.memory_space<vmem_shared>>
      tpu.wait_indirect_dma semaphore(%arg12 : memref<!tpu.dma_semaphore, #tpu.memory_space<semaphore_mem>>) src(%dma_wait3A_809 : memref<129x128xf32, #tpu.memory_space<vmem_shared>>) dst(%arg9 : memref<400x128xf32, #tpu.memory_space<vmem>>)
      %dma_wait3A_810 = arith.constant 0 : i32
      %dma_wait3A_811 = tpu.memref_slice %arg4[%mul3A_2, %dma_wait3A_810] : memref<3276800x128xf32, #tpu.memory_space<hbm>> -> memref<400x128xf32, #tpu.memory_space<hbm>>
      %dma_wait3A_812 = arith.constant 0 : i32
      %dma_wait3A_813 = tpu.memref_slice %arg4[%mul3A_2, %dma_wait3A_812] : memref<3276800x128xf32, #tpu.memory_space<hbm>> -> memref<400x128xf32, #tpu.memory_space<hbm>>
      tpu.wait_dma2 semaphore(%arg13 : memref<!tpu.dma_semaphore, #tpu.memory_space<semaphore_mem>>) src(%arg8 : memref<400x128xf32, #tpu.memory_space<vmem>>) dst(%dma_wait3A_813 : memref<400x128xf32, #tpu.memory_space<hbm>>)
      %dma_start3A_814 = arith.constant 0 : i32
      %dma_start3A_815 = tpu.memref_slice %arg4[%add3A_799, %dma_start3A_814] : memref<3276800x128xf32, #tpu.memory_space<hbm>> -> memref<400x128xf32, #tpu.memory_space<hbm>>
      %dma_start3A_816 = arith.constant 0 : i32
      %dma_start3A_817 = tpu.memref_slice %arg4[%add3A_799, %dma_start3A_816] : memref<3276800x128xf32, #tpu.memory_space<hbm>> -> memref<400x128xf32, #tpu.memory_space<hbm>>
      tpu.enqueue_dma source(%arg9 : memref<400x128xf32, #tpu.memory_space<vmem>>) target(%dma_start3A_817 : memref<400x128xf32, #tpu.memory_space<hbm>>) target_semaphore(%arg13 : memref<!tpu.dma_semaphore, #tpu.memory_space<semaphore_mem>>)
    }
    %scan3A_10 = arith.constant 8 : i32
    %dma_wait3A = arith.constant 0 : i32
    %dma_wait3A_11 = tpu.memref_slice %arg4[%mul3A_2, %dma_wait3A] : memref<3276800x128xf32, #tpu.memory_space<hbm>> -> memref<400x128xf32, #tpu.memory_space<hbm>>
    %dma_wait3A_12 = arith.constant 0 : i32
    %dma_wait3A_13 = tpu.memref_slice %arg4[%mul3A_2, %dma_wait3A_12] : memref<3276800x128xf32, #tpu.memory_space<hbm>> -> memref<400x128xf32, #tpu.memory_space<hbm>>
    tpu.wait_dma2 semaphore(%arg13 : memref<!tpu.dma_semaphore, #tpu.memory_space<semaphore_mem>>) src(%arg9 : memref<400x128xf32, #tpu.memory_space<vmem>>) dst(%dma_wait3A_13 : memref<400x128xf32, #tpu.memory_space<hbm>>)
    return
  }
}

</mosaic_0001>

<sc_bundles>
// kernel: kernel.3.cloned.1.call-start
scs
__scs_entry_jumppad:
0x0: {  	(pc) =	sbr.rel $0x88, $3  }
0x1: {  	(tag) =	ssettag $0x0;
	lr =	simm.s32 $0x1  }
0x2: {  	[smem:$0x3F9F] =	sst lr;
	_ =	strace $0xD0000000  }
0x3: {  	_ = 	snop  }
0x4: {  	_ = 	snop  }
0x5: {  	_ = 	snop  }
0x6: {  	_ = 	snop  }
0x7: {  	_ = 	snop  }
__scs_overlays_trampoline_lowered:
0x8: {  	[smem:$0x3FAE] =	sst s0  }
0x9: {  	[smem:$0x3FAF] =	sst s1  }
0xa: {  	[smem:$0x3FB0] =	sst s2  }
0xb: {  	[smem:$0x3FB1] =	sst s3  }
0xc: {  	[smem:$0x3FB2] =	sst s4  }
0xd: {  	[smem:$0x3FB3] =	sst s5  }
0xe: {  	[smem:$0x3FB4] =	sst s6  }
0xf: {  	[smem:$0x3FB5] =	sst s7  }
0x10: {  	[smem:$0x3FB6] =	sst s8  }
0x11: {  	[smem:$0x3FB7] =	sst s9;
	s0 =	simm.s32 @!p0 $0x0  }
0x12: {  	s1 =	sld [smem:$0x3F9D];
	s0 =	simm.s32 @p0 $0x1  }
0x13: {  	[smem:$0x3FB8] =	sst s0;
	s0 =	simm.s32 @!p1 $0x0  }
0x14: {  	s2 =	sld [smem:$0x3F9C];
	s0 =	simm.s32 @p1 $0x1  }
0x15: {  	[smem:$0x3FB9] =	sst s0;
	s0 =	simm.s32 @!p2 $0x0  }
0x16: {  	s3 =	sld [smem:$0x3FDB];
	s0 =	simm.s32 @p2 $0x1  }
0x17: {  	s4 =	simm.s32 $0x1BF5;
	[smem:$0x3FBB] =	sst s0  }
0x18: {  	s0 =	sld [smem:$0x3F9E];
	_ =	swait.ge [sflag:s4], $0x0  }
0x19: {  	s7 =	sld [smem:$0x3F9F]  }
0x1a: {  	s8 =	sadd.s32 $0xFFFFE003, lr  }
0x1b: {  	s9 =	sadd.s32 $0xFFFFFEF7, lr;
	s5 =	simm.s32 $0xFFFFFFFF;
	p2 =	slt.u32 s8, $0xFFFFF086  }
0x1c: {  	p1 =	slt.u32 s9, $0xF7A;
	s5 =	simm.s32 @!p2 $0x0  }
0x1d: {  	s5 =	simm.s32 @p1 $0x1;
	p0 =	seq.s32 s7, s2  }
0x1e: {  	s7 =	smul.u32 @!p0 $0xF7A, s2;
	p2 =	seq.s32 @!p0 s5, $0x0  }
0x1f: {  	s9 =	smul.u32 $0xF7A, s1;
	s8 =	simm.s32 @!p0 $0x1BF5;
	p2 =	por !p2, p0  }
0x20: {  	[sflag:s8] =	ssyncset.s32 @!p0 $0xFFFFF086;
	s6 =	sadd.s32 @!p0 s3, s7;
	s7 =	simm.s32 @!p0 $0x108  }
0x21: {  	s3 =	sadd.s32 s3, s9;
	s6 =	sadd.s32 @!p0 $0x88, s6;
	s7 =	simm.s32 @p2 $0x1082  }
0x22: {  	[simem:s7], [sflag:s8] =	dma.local @!p0 [hbm:s6], $0xF7A  }
0x23: {  	s9 =	sor.u32 $0xD0000000, s2;
	s6 =	simm.s32 $0x108;
	_ =	swait.ge @!p0 [sflag:s8], $0x0  }
0x24: {  	s3 =	sadd.s32 $0x88, s3;
	s6 =	simm.s32 @!p1 $0x1082;
	[sflag:s4] =	ssyncset.s32 $0xFFFFF086  }
0x25: {  	[simem:s6], [sflag:s4] =	dma.local [hbm:s3], $0xF7A  }
0x26: {  	[smem:$0x3F9F] =	sst s1;
	(tag) =	ssettag s2;
	_ =	strace s9  }
0x27: {  	s1 =	sld [smem:$0x3FAF]  }
0x28: {  	s2 =	sld [smem:$0x3FB0]  }
0x29: {  	s4 =	sld [smem:$0x3FB2]  }
0x2a: {  	p0 =	seq.s32 s5, $0x0;
	s5 =	sld [smem:$0x3FB3]  }
0x2b: {  	s6 =	sld [smem:$0x3FB4]  }
0x2c: {  	s7 =	sld [smem:$0x3FB5]  }
0x2d: {  	s3 =	simm.s32 $0x108;
	s8 =	sld [smem:$0x3FB6]  }
0x2e: {  	s3 =	simm.s32 @!p0 $0x1082;
	s9 =	sld [smem:$0x3FB7]  }
0x2f: {  	lr =	sadd.s32 s0, s3;
	s0 =	sld [smem:$0x3FAE]  }
0x30: {  	s3 =	sld [smem:$0x3FB1]  }
0x31: {  	[smem:$0x3FBA] =	sst s10  }
0x32: {  	s10 =	sld [smem:$0x3FB8];
	_ =	sdelay $0x3  }
0x33: {  	p0 =	seq.s32 s10, $0x1;
	s10 =	sld [smem:$0x3FBA];
	_ =	sdelay $0x3  }
0x34: {  	[smem:$0x3FBA] =	sst s10  }
0x35: {  	s10 =	sld [smem:$0x3FB9];
	_ =	sdelay $0x3  }
0x36: {  	p1 =	seq.s32 s10, $0x1;
	s10 =	sld [smem:$0x3FBA];
	_ =	sdelay $0x3  }
0x37: {  	[smem:$0x3FBA] =	sst s10  }
0x38: {  	s10 =	sld [smem:$0x3FBB]  }
0x39: {  	_ = 	snop;
	(pc) =	sbr.ind lr, $3  }
0x3a: {  	_ = 	snop  }
0x3b: {  	_ = 	snop  }
0x3c: {  	p2 =	seq.s32 s10, $0x1;
	s10 =	sld [smem:$0x3FBA]  }
0x3d: {  	_ =	shalt  }
0x3e: {  	_ =	shalt  }
0x3f: {  	_ =	shalt  }
0x40: {  	_ =	shalt  }
0x41: {  	_ =	shalt  }
0x42: {  	_ =	shalt  }
0x43: {  	_ =	shalt  }
0x44: {  	_ =	shalt  }
0x45: {  	_ =	shalt  }
0x46: {  	_ =	shalt  }
0x47: {  	_ =	shalt  }
0x48: {  	_ =	shalt  }
0x49: {  	_ =	shalt  }
0x4a: {  	_ =	shalt  }
0x4b: {  	_ =	shalt  }
0x4c: {  	_ =	shalt  }
0x4d: {  	_ =	shalt  }
0x4e: {  	_ =	shalt  }
0x4f: {  	_ =	shalt  }
0x50: {  	_ =	shalt  }
0x51: {  	_ =	shalt  }
0x52: {  	_ =	shalt  }
0x53: {  	_ =	shalt  }
0x54: {  	_ =	shalt  }
0x55: {  	_ =	shalt  }
0x56: {  	_ =	shalt  }
0x57: {  	_ =	shalt  }
0x58: {  	_ =	shalt  }
0x59: {  	_ =	shalt  }
0x5a: {  	_ =	shalt  }
0x5b: {  	_ =	shalt  }
0x5c: {  	_ =	shalt  }
0x5d: {  	_ =	shalt  }
0x5e: {  	_ =	shalt  }
0x5f: {  	_ =	shalt  }
0x60: {  	_ =	shalt  }
0x61: {  	_ =	shalt  }
0x62: {  	_ =	shalt  }
0x63: {  	_ =	shalt  }
0x64: {  	_ =	shalt  }
0x65: {  	_ =	shalt  }
0x66: {  	_ =	shalt  }
0x67: {  	_ =	shalt  }
0x68: {  	_ =	shalt  }
0x69: {  	_ =	shalt  }
0x6a: {  	_ =	shalt  }
0x6b: {  	_ =	shalt  }
0x6c: {  	_ =	shalt  }
0x6d: {  	_ =	shalt  }
0x6e: {  	_ =	shalt  }
0x6f: {  	_ =	shalt  }
0x70: {  	_ =	shalt  }
0x71: {  	_ =	shalt  }
0x72: {  	_ =	shalt  }
0x73: {  	_ =	shalt  }
0x74: {  	_ =	shalt  }
0x75: {  	_ =	shalt  }
0x76: {  	_ =	shalt  }
0x77: {  	_ =	shalt  }
0x78: {  	_ =	shalt  }
0x79: {  	_ =	shalt  }
0x7a: {  	_ =	shalt  }
0x7b: {  	_ =	shalt  }
0x7c: {  	_ =	shalt  }
0x7d: {  	_ =	shalt  }
0x7e: {  	_ =	shalt  }
0x7f: {  	_ =	shalt  }
0x80: {  	_ =	shalt  }
0x81: {  	_ =	shalt  }
0x82: {  	_ =	shalt  }
0x83: {  	_ =	shalt  }
0x84: {  	_ =	shalt  }
0x85: {  	_ =	shalt  }
0x86: {  	_ =	shalt  }
0x87: {  	_ =	shalt  }
.Lfunc_end0:
.L_simem_size_0:
called_computation_lowered:
.L_overlay_start_0:
0x88: {  	s2 =	sld [smem:$0x3FD9]  }
0x89: {  	s3 =	sld [smem:$0x3FFE];
	_ =	sdelay $0x1  }
0x8a: {  	s1 =	srdreg.scid  }
0x8b: {  	s0 =	sand.u32 $0x1, s1  }
0x8c: {  	s17 =	sshll.u32 s0, $0xA;
	s2 =	sadd.s32 s3, s2  }
0x8d: {  	s2 =	sadd.s32 s2, s17  }
0x8e: {  	[smem:$0x3FC6] =	sst s2  }
0x8f: {  	_ = 	snop  }
0x90: {  	s2 =	sld [smem:$0x3FC8]  }
0x91: {  	s18 =	sld [smem:$0x3FD0];
	(tm) =	ssettm $0x1  }
0x92: {  	s4 =	sld [smem:$0x3FFB];
	_ =	sdelay $0x3  }
0x93: {  	_ =	strace s4  }
0x94: {  	s4 =	sld [smem:$0x3FFC];
	_ =	sdelay $0x3  }
0x95: {  	_ =	strace s4  }
0x96: {  	s4 =	sld [smem:$0x3FFD];
	_ =	sdelay $0x3  }
0x97: {  	_ =	strace s4  }
0x98: {  	_ =	strace $0x8FFFFFFF  }
0x99: {  	s19 =	sld [smem:$0x3FDB];
	_ =	sdelay $0x1  }
0x9a: {  	s5 =	simm.s32 $_scs_section_size  }
0x9b: {  	s6 =	simm.s32 $_size__tile_overlayer_lowered;
	s7 =	simm.s32 $_tile_overlayer_lowered  }
0x9c: {  	s22 =	simm.s32 $0x1BFF;
	s21 =	sshll.u32 s7, $0x1;
	s4 =	sadd.s32 s5, s19  }
0x9d: {  	s8 =	simm.s32 $0x0;
	s20 =	sshll.u32 s6, $0x1;
	s6 =	sadd.s32 s21, s4  }
0x9e: {  	[timem:s8], [sflag:s22] =	dma.local [hbm:s6], s20  }
0x9f: {  	_ =	swait.ge [sflag:s22], s20  }
0xa0: {  	s5 =	ssub.s32 $0x0, s20;
	[sflag:s22] =	ssyncset.done $0x0  }
0xa1: {  	[sflag:s22] =	ssyncadd.s32 s5;
	_ =	sdelay $0x1  }
0xa2: {  	s23 =	simm.s32 $0x1B8B  }
0xa3: {  	_ =	swait.ge [sflag:s23], $0x1  }
0xa4: {  	[sflag:s23] =	ssyncset.done $0x0  }
0xa5: {  	s25 =	simm.s32 $0x1B8E;
	s24 =	sld [smem:$0x3FFE];
	[sflag:s23] =	ssyncadd.s32 $0xFFFFFFFF  }
0xa6: {  	s26 =	simm.s32 $execute0_lowered;
	[smem:$0x3FD2] =	sst s25  }
0xa7: {  	s6 =	sshll.u32 s26, $0x1;
	_ =	strace $0x80000046;
	[dreg:$0x1] =	wrdreg $0xFFFFFFFF  }
0xa8: {  	s28 =	simm.s32 $_size_execute0_lowered;
	s4 =	sadd.s32 s4, s6;
	[dreg:$0x0] =	wrdreg $0x0  }
0xa9: {  	s6 =	sshll.u32 s28, $0x1;
	[dreg:$0x2] =	wrdreg s4  }
0xaa: {  	[dreg:$0x3] =	wrdreg s6  }
0xab: {  	[dreg:$0x4] =	wrdreg $0xC0  }
0xac: {  	_ =	task [dreg:s8], $0x5FFFF  }
0xad: {  	[dreg:$0x1] =	wrdreg $0xFFFFFFFF  }
0xae: {  	[dreg:$0x0] =	wrdreg $0x60  }
0xaf: {  	[dreg:$0x2] =	wrdreg s24  }
0xb0: {  	[dreg:$0x3] =	wrdreg s2  }
0xb1: {  	[dreg:$0x4] =	wrdreg s18  }
0xb2: {  	[dreg:$0x5] =	wrdreg $0x0  }
0xb3: {  	[dreg:$0x6] =	wrdreg $0x9  }
0xb4: {  	_ =	task.clear_ibuf [dreg:s8], $0x7FFFF;
	_ =	strace $0x90000046  }
0xb5: {  	s29 =	simm.s32 $0x9;
	_ =	strace $0x80000048  }
0xb6: {  	_ =	swait.ge [sflag:s29], $0x1  }
0xb7: {  	[sflag:s29] =	ssyncadd.s32 $0xFFFFFFFF  }
0xb8: {  	_ =	strace $0x90000048  }
0xb9: {  	_ =	sfence  }
0xba: {  	s30 =	sld [smem:$0x0];
	_ =	sdelay $0x2  }
0xbb: {  	s31 =	sshll.u32 s1, $0xD;
	s1 =	sshrl.u32 s1, $0x2  }
0xbc: {  	s3 =	sand.u32 $0x4000, s31;
	s1 =	sadd.s32 s1, s30  }
0xbd: {  	s0 =	sor.u32 s3, s0;
	s1 =	sshll.u32 s1, $0x11  }
0xbe: {  	s0 =	sor.u32 s1, s0  }
0xbf: {  	s0 =	sadd.s32 $0x8F2B, s0  }
0xc0: {  	[sflag:s0] =	ssyncadd.remote.s32 $0x1  }
0xc1: {  	_ =	sfence.sel $0xFFFF  }
0xc2: {  	[dreg:$0x0] =	wrdreg $0xFFFFFFFF;
	(pc) =	sbr.abs _section_cstart, $3  }
0xc3: {  	[dreg:$0x1] =	wrdreg $0xFFFFFFFF  }
0xc4: {  	_ =	task.clear_ibuf [dreg:s8], $0x2FFFF;
	_ =	strace $0x9FFFFFFF  }
0xc5: {  	(tm) =	ssettm $0x7FFFFFFF  }
tec
execute0_lowered:
.L_overlay_start_1:
0x0: {  	(tag) =	ssettag $0x1  }
0x1: {  	s4 =	rddreg [dreg:$0x0]  }
0x2: {  	s0 =	rddreg [dreg:$0x1]  }
0x3: {  	s5 =	rddreg [dreg:$0x2]  }
0x4: {  	s1 =	srdreg.scid;
	s2 =	rddreg [dreg:$0x3]  }
0x5: {  	s3 =	simm.s32 $0x0;
	s6 =	sand.u32 $0x1, s1;
	s1 =	rddreg [dreg:$0x4]  }
0x6: {  	s24 =	simm.s32 $0x598;
	[smem:$0x7FF] =	sst s3  }
0x7: {  	s25 =	simm.s32 $0x728;
	_ =	strace $0x80000047;
	[dreg:$0x6] =	wrdreg s24  }
0x8: {  	s26 =	simm.s32 $0x8B8;
	[dreg:$0x7] =	wrdreg s25  }
0x9: {  	s28 =	simm.s32 $0xA48;
	[dreg:$0x8] =	wrdreg s26  }
0xa: {  	s30 =	simm.s32 $0xBD8;
	[dreg:$0x9] =	wrdreg s28  }
0xb: {  	s11 =	simm.s32 $0xD68;
	[dreg:$0xa] =	wrdreg s30  }
0xc: {  	s12 =	simm.s32 $0xEF8;
	[dreg:$0xb] =	wrdreg s11  }
0xd: {  	s13 =	simm.s32 $0x1088;
	[dreg:$0xc] =	wrdreg s12  }
0xe: {  	s14 =	simm.s32 $0x1218;
	[dreg:$0xd] =	wrdreg s13  }
0xf: {  	s9 =	stileid.u32;
	s15 =	simm.s32 $0x13A8;
	[dreg:$0xe] =	wrdreg s14  }
0x10: {  	s17 =	simm.s32 $0x1538;
	s18 =	simm.s32 $0x16C8;
	[dreg:$0xf] =	wrdreg s15  }
0x11: {  	s20 =	simm.s32 $0x1858;
	s21 =	simm.s32 $0x19E8;
	[dreg:$0x10] =	wrdreg s17  }
0x12: {  	s22 =	simm.s32 $0x1B78;
	s7 =	smul.u32 $0x320000, s9;
	[dreg:$0x11] =	wrdreg s18  }
0x13: {  	s4 =	sadd.s32 $0x400, s4;
	s10 =	sshll.u32 s9, $0x1;
	[dreg:$0x12] =	wrdreg s20  }
0x14: {  	s19 =	smul.u32 $0x32000, s9;
	p0 =	sne.s32 s9, $0x0;
	[dreg:$0x13] =	wrdreg s21  }
0x15: {  	s8 =	smul.u32 $0x190000, s6;
	[dreg:$0x14] =	wrdreg s22;
	s24 =	simm.s32 $0x1E98  }
0x16: {  	s29 =	ssub.s32 $0x2, s6;
	s25 =	simm.s32 $0x2028;
	[dreg:$0x15] =	wrdreg s24  }
0x17: {  	s10 =	sor.u32 s6, s10;
	s26 =	simm.s32 $0x21B8;
	[dreg:$0x16] =	wrdreg s25  }
0x18: {  	s11 =	smul.u32 $0x19000, s6;
	s28 =	simm.s32 $0x2348;
	[dreg:$0x17] =	wrdreg s26  }
0x19: {  	s30 =	simm.s32 $0x2668;
	s9 =	sshrl.u32 @!p0 s2, $0x3;
	[dreg:$0x18] =	wrdreg s28  }
0x1a: {  	s12 =	simm.s32 $0x2988;
	s13 =	simm.s32 $0x2B18;
	[dreg:$0x1a] =	wrdreg s30  }
0x1b: {  	s14 =	simm.s32 $0x2CA8;
	s15 =	simm.s32 $0x2E38;
	[dreg:$0x1c] =	wrdreg s12  }
0x1c: {  	s17 =	simm.s32 $0x3158;
	s18 =	simm.s32 $0x32E8;
	[dreg:$0x1d] =	wrdreg s13  }
0x1d: {  	s5 =	sadd.s32 s7, s5;
	s31 =	sshrl.u32 s29, $0x1;
	[dreg:$0x1e] =	wrdreg s14  }
0x1e: {  	s10 =	smul.u32 $0x19000, s10;
	s12 =	simm.s32 $0x1;
	[dreg:$0x1f] =	wrdreg s15  }
0x1f: {  	s13 =	simm.s32 $0x190;
	s14 =	simm.s32 $0x3608;
	[smem:$0x7FB] =	sst s17  }
0x20: {  	s15 =	simm.s32 $0x3;
	s17 =	simm.s32 $0x4;
	[smem:$0x7FC] =	sst s18  }
0x21: {  	s18 =	simm.s32 $0x2;
	s5 =	sadd.s32 s8, s5;
	s7 =	ssub.s32 s29, s31  }
0x22: {  	s23 =	sadd.s32 s11, s19;
	s29 =	simm.s32 $0x24D8;
	s31 =	simm.s32 $0x27F8  }
0x23: {  	s11 =	simm.s32 $0x1D08;
	s19 =	simm.s32 $0x3478;
	[dreg:$0x5] =	wrdreg s5  }
0x24: {  	s16 =	sshrl.u32 s10, $0x3;
	s6 =	smax.u32 s7, $0x1;
	[dreg:$0x19] =	wrdreg s29  }
0x25: {  	s7 =	sadd.s32 $0x3200, s23;
	s8 =	sadd.s32 $0x1900, s23;
	[dreg:$0x1b] =	wrdreg s31  }
0x26: {  	s10 =	simm.s32 $0x408;
	[smem:$0x7FD] =	sst s19;
	s19 =	simm.s32 $0x0  }
0x27: {  	s5 =	sadd.s32 s4, s16;
	s8 =	sshrl.u32 s8, $0x3;
	s16 =	simm.s32 $0x2FC8  }
0x28: {  	s8 =	sadd.s32 s8, s4;
	[smem:$0x7FA] =	sst s16;
	s16 =	simm.s32 $0xFE08  }
.LBB2_1:
0x29: {  	s20 =	simm.s32 @!p0 $0x1C05  }
0x2a: {  	[spmem:s9], [sflag:s20] =	dma.local @!p0 [hbm:s0], $0x810  }
0x2b: {  	s20 =	simm.s32 @!p0 $0x5  }
0x2c: {  	_ =	swait.ge @!p0 [sflag:s20], $0x810  }
0x2d: {  	[sflag:s20] =	ssyncset.done @!p0 $0x0  }
0x2e: {  	[sflag:s20] =	ssyncadd.s32 @!p0 $0xFFFFF7F0  }
0x2f: {  	[bflag:$0x0] =	sbarrier.arrive $0xFFFF  }
0x30: {  	[tilespmem:s10], [sflag:$0x1] =	stream.linear.gather [hbm4b:s5+s3], $0x1900, $0x38;
	[tilespmem:$0x1C608] =	vst v63  }
0x31: {  	_ = 	snop  }
0x32: {  	[tilespmem:s11], [sflag:$0x2] =	stream.linear.gather [hbm4b:s8+s3], $0x1900, $0x38;
	[tilespmem:$0x1C608] =	vst v63  }
0x33: {  	_ =	swait.ge [sflag:s12], $0x1900  }
0x34: {  	[sflag:s12] =	ssyncset.done $0x0  }
0x35: {  	[sflag:s12] =	ssyncadd.s32 $0xFFFFE700  }
0x36: {  	[tilespmem:s14], [sflag:$0x3] =	stream.indirect.gather [spmem:s2], $0x80, s10, s13, $0xb8;
	[tilespmem:$0x1C608] =	vst v63  }
0x37: {  	_ =	swait.ge [sflag:s15], $0xC800  }
0x38: {  	p1 =	por $0x1, $0x1;
	[sflag:s15] =	ssyncset.done $0x0  }
0x39: {  	s20 =	simm.s32 @!p1 $0x4;
	[sflag:s15] =	ssyncadd.s32 $0xFFFF3800  }
0x3a: {  	_ =	swait.ge @!p1 [sflag:s20], $0xC800  }
0x3b: {  	s21 =	rddreg [dreg:$0x5];
	[sflag:s20] =	ssyncset.done @!p1 $0x0  }
0x3c: {  	[sflag:s20] =	ssyncadd.s32 @!p1 $0xFFFF3800;
	s21 =	sadd.s32 $0x0, s21  }
0x3d: {  	[hbm4b:s21+s3] =	stream.linear.scatter [tilespmem:s14], [sflag:$0x4], $0xC800, $0x38;
	[tilespmem:$0x1C608] =	vst v63  }
0x3e: {  	s30 =	rddreg [dreg:$0x6]  }
0x3f: {  	[tilespmem:s16], [sflag:$0x3] =	stream.indirect.gather [spmem:s2], $0x80, s30, s13, $0xb8;
	[tilespmem:$0x1C608] =	vst v63  }
0x40: {  	_ =	swait.ge [sflag:s15], $0xC800  }
0x41: {  	[sflag:s15] =	ssyncset.done $0x0  }
0x42: {  	[sflag:s15] =	ssyncadd.s32 $0xFFFF3800  }
0x43: {  	_ =	swait.ge [sflag:s17], $0xC800  }
0x44: {  	[sflag:s17] =	ssyncset.done $0x0  }
0x45: {  	s31 =	sadd.s32 $0x1900, s21;
	[sflag:s17] =	ssyncadd.s32 $0xFFFF3800  }
0x46: {  	[hbm4b:s31+s3] =	stream.linear.scatter [tilespmem:s16], [sflag:$0x4], $0xC800, $0x38;
	[tilespmem:$0x1C608] =	vst v63  }
0x47: {  	s22 =	rddreg [dreg:$0x7]  }
0x48: {  	[tilespmem:s14], [sflag:$0x3] =	stream.indirect.gather [spmem:s2], $0x80, s22, s13, $0xb8;
	[tilespmem:$0x1C608] =	vst v63  }
0x49: {  	_ =	swait.ge [sflag:s15], $0xC800  }
0x4a: {  	[sflag:s15] =	ssyncset.done $0x0  }
0x4b: {  	[sflag:s15] =	ssyncadd.s32 $0xFFFF3800  }
0x4c: {  	_ =	swait.ge [sflag:s17], $0xC800  }
0x4d: {  	[sflag:s17] =	ssyncset.done $0x0  }
0x4e: {  	s23 =	sadd.s32 $0x3200, s21;
	[sflag:s17] =	ssyncadd.s32 $0xFFFF3800  }
0x4f: {  	[hbm4b:s23+s3] =	stream.linear.scatter [tilespmem:s14], [sflag:$0x4], $0xC800, $0x38;
	[tilespmem:$0x1C608] =	vst v63  }
0x50: {  	s24 =	rddreg [dreg:$0x8]  }
0x51: {  	[tilespmem:s16], [sflag:$0x3] =	stream.indirect.gather [spmem:s2], $0x80, s24, s13, $0xb8;
	[tilespmem:$0x1C608] =	vst v63  }
0x52: {  	_ =	swait.ge [sflag:s15], $0xC800  }
0x53: {  	[sflag:s15] =	ssyncset.done $0x0  }
0x54: {  	[sflag:s15] =	ssyncadd.s32 $0xFFFF3800  }
0x55: {  	_ =	swait.ge [sflag:s17], $0xC800  }
0x56: {  	[sflag:s17] =	ssyncset.done $0x0  }
0x57: {  	s25 =	sadd.s32 $0x4B00, s21;
	[sflag:s17] =	ssyncadd.s32 $0xFFFF3800  }
0x58: {  	[hbm4b:s25+s3] =	stream.linear.scatter [tilespmem:s16], [sflag:$0x4], $0xC800, $0x38;
	[tilespmem:$0x1C608] =	vst v63  }
0x59: {  	s26 =	rddreg [dreg:$0x9]  }
0x5a: {  	[tilespmem:s14], [sflag:$0x3] =	stream.indirect.gather [spmem:s2], $0x80, s26, s13, $0xb8;
	[tilespmem:$0x1C608] =	vst v63  }
0x5b: {  	_ =	swait.ge [sflag:s15], $0xC800  }
0x5c: {  	[sflag:s15] =	ssyncset.done $0x0  }
0x5d: {  	[sflag:s15] =	ssyncadd.s32 $0xFFFF3800  }
0x5e: {  	_ =	swait.ge [sflag:s17], $0xC800  }
0x5f: {  	[sflag:s17] =	ssyncset.done $0x0  }
0x60: {  	s28 =	sadd.s32 $0x6400, s21;
	[sflag:s17] =	ssyncadd.s32 $0xFFFF3800  }
0x61: {  	[hbm4b:s28+s3] =	stream.linear.scatter [tilespmem:s14], [sflag:$0x4], $0xC800, $0x38;
	[tilespmem:$0x1C608] =	vst v63  }
0x62: {  	s29 =	rddreg [dreg:$0xa]  }
0x63: {  	[tilespmem:s16], [sflag:$0x3] =	stream.indirect.gather [spmem:s2], $0x80, s29, s13, $0xb8;
	[tilespmem:$0x1C608] =	vst v63  }
0x64: {  	_ =	swait.ge [sflag:s15], $0xC800  }
0x65: {  	[sflag:s15] =	ssyncset.done $0x0  }
0x66: {  	[sflag:s15] =	ssyncadd.s32 $0xFFFF3800  }
0x67: {  	_ =	swait.ge [sflag:s17], $0xC800  }
0x68: {  	[sflag:s17] =	ssyncset.done $0x0  }
0x69: {  	s30 =	sadd.s32 $0x7D00, s21;
	[sflag:s17] =	ssyncadd.s32 $0xFFFF3800  }
0x6a: {  	[hbm4b:s30+s3] =	stream.linear.scatter [tilespmem:s16], [sflag:$0x4], $0xC800, $0x38;
	[tilespmem:$0x1C608] =	vst v63  }
0x6b: {  	s31 =	rddreg [dreg:$0xb]  }
0x6c: {  	[tilespmem:s14], [sflag:$0x3] =	stream.indirect.gather [spmem:s2], $0x80, s31, s13, $0xb8;
	[tilespmem:$0x1C608] =	vst v63  }
0x6d: {  	_ =	swait.ge [sflag:s15], $0xC800  }
0x6e: {  	[sflag:s15] =	ssyncset.done $0x0  }
0x6f: {  	[sflag:s15] =	ssyncadd.s32 $0xFFFF3800  }
0x70: {  	_ =	swait.ge [sflag:s17], $0xC800  }
0x71: {  	[sflag:s17] =	ssyncset.done $0x0  }
0x72: {  	s23 =	sadd.s32 $0x9600, s21;
	[sflag:s17] =	ssyncadd.s32 $0xFFFF3800  }
0x73: {  	[hbm4b:s23+s3] =	stream.linear.scatter [tilespmem:s14], [sflag:$0x4], $0xC800, $0x38;
	[tilespmem:$0x1C608] =	vst v63  }
0x74: {  	s24 =	rddreg [dreg:$0xc]  }
0x75: {  	[tilespmem:s16], [sflag:$0x3] =	stream.indirect.gather [spmem:s2], $0x80, s24, s13, $0xb8;
	[tilespmem:$0x1C608] =	vst v63  }
0x76: {  	_ =	swait.ge [sflag:s15], $0xC800  }
0x77: {  	[sflag:s15] =	ssyncset.done $0x0  }
0x78: {  	[sflag:s15] =	ssyncadd.s32 $0xFFFF3800  }
0x79: {  	_ =	swait.ge [sflag:s17], $0xC800  }
0x7a: {  	[sflag:s17] =	ssyncset.done $0x0  }
0x7b: {  	s25 =	sadd.s32 $0xAF00, s21;
	[sflag:s17] =	ssyncadd.s32 $0xFFFF3800  }
0x7c: {  	[hbm4b:s25+s3] =	stream.linear.scatter [tilespmem:s16], [sflag:$0x4], $0xC800, $0x38;
	[tilespmem:$0x1C608] =	vst v63  }
0x7d: {  	s26 =	rddreg [dreg:$0xd]  }
0x7e: {  	[tilespmem:s14], [sflag:$0x3] =	stream.indirect.gather [spmem:s2], $0x80, s26, s13, $0xb8;
	[tilespmem:$0x1C608] =	vst v63  }
0x7f: {  	_ =	swait.ge [sflag:s15], $0xC800  }
0x80: {  	[sflag:s15] =	ssyncset.done $0x0  }
0x81: {  	[sflag:s15] =	ssyncadd.s32 $0xFFFF3800  }
0x82: {  	_ =	swait.ge [sflag:s17], $0xC800  }
0x83: {  	[sflag:s17] =	ssyncset.done $0x0  }
0x84: {  	s28 =	sadd.s32 $0xC800, s21;
	[sflag:s17] =	ssyncadd.s32 $0xFFFF3800  }
0x85: {  	[hbm4b:s28+s3] =	stream.linear.scatter [tilespmem:s14], [sflag:$0x4], $0xC800, $0x38;
	[tilespmem:$0x1C608] =	vst v63  }
0x86: {  	s29 =	rddreg [dreg:$0xe]  }
0x87: {  	[tilespmem:s16], [sflag:$0x3] =	stream.indirect.gather [spmem:s2], $0x80, s29, s13, $0xb8;
	[tilespmem:$0x1C608] =	vst v63  }
0x88: {  	_ =	swait.ge [sflag:s15], $0xC800  }
0x89: {  	[sflag:s15] =	ssyncset.done $0x0  }
0x8a: {  	[sflag:s15] =	ssyncadd.s32 $0xFFFF3800  }
0x8b: {  	_ =	swait.ge [sflag:s17], $0xC800  }
0x8c: {  	[sflag:s17] =	ssyncset.done $0x0  }
0x8d: {  	s30 =	sadd.s32 $0xE100, s21;
	[sflag:s17] =	ssyncadd.s32 $0xFFFF3800  }
0x8e: {  	[hbm4b:s30+s3] =	stream.linear.scatter [tilespmem:s16], [sflag:$0x4], $0xC800, $0x38;
	[tilespmem:$0x1C608] =	vst v63  }
0x8f: {  	s31 =	rddreg [dreg:$0xf]  }
0x90: {  	[tilespmem:s14], [sflag:$0x3] =	stream.indirect.gather [spmem:s2], $0x80, s31, s13, $0xb8;
	[tilespmem:$0x1C608] =	vst v63  }
0x91: {  	_ =	swait.ge [sflag:s15], $0xC800  }
0x92: {  	[sflag:s15] =	ssyncset.done $0x0  }
0x93: {  	[sflag:s15] =	ssyncadd.s32 $0xFFFF3800  }
0x94: {  	_ =	swait.ge [sflag:s17], $0xC800  }
0x95: {  	[sflag:s17] =	ssyncset.done $0x0  }
0x96: {  	s23 =	sadd.s32 $0xFA00, s21;
	[sflag:s17] =	ssyncadd.s32 $0xFFFF3800  }
0x97: {  	[hbm4b:s23+s3] =	stream.linear.scatter [tilespmem:s14], [sflag:$0x4], $0xC800, $0x38;
	[tilespmem:$0x1C608] =	vst v63  }
0x98: {  	s24 =	rddreg [dreg:$0x10]  }
0x99: {  	[tilespmem:s16], [sflag:$0x3] =	stream.indirect.gather [spmem:s2], $0x80, s24, s13, $0xb8;
	[tilespmem:$0x1C608] =	vst v63  }
0x9a: {  	_ =	swait.ge [sflag:s15], $0xC800  }
0x9b: {  	[sflag:s15] =	ssyncset.done $0x0  }
0x9c: {  	[sflag:s15] =	ssyncadd.s32 $0xFFFF3800  }
0x9d: {  	_ =	swait.ge [sflag:s17], $0xC800  }
0x9e: {  	[sflag:s17] =	ssyncset.done $0x0  }
0x9f: {  	s25 =	sadd.s32 $0x11300, s21;
	[sflag:s17] =	ssyncadd.s32 $0xFFFF3800  }
0xa0: {  	[hbm4b:s25+s3] =	stream.linear.scatter [tilespmem:s16], [sflag:$0x4], $0xC800, $0x38;
	[tilespmem:$0x1C608] =	vst v63  }
0xa1: {  	s26 =	rddreg [dreg:$0x11]  }
0xa2: {  	[tilespmem:s14], [sflag:$0x3] =	stream.indirect.gather [spmem:s2], $0x80, s26, s13, $0xb8;
	[tilespmem:$0x1C608] =	vst v63  }
0xa3: {  	_ =	swait.ge [sflag:s15], $0xC800  }
0xa4: {  	[sflag:s15] =	ssyncset.done $0x0  }
0xa5: {  	[sflag:s15] =	ssyncadd.s32 $0xFFFF3800  }
0xa6: {  	_ =	swait.ge [sflag:s17], $0xC800  }
0xa7: {  	[sflag:s17] =	ssyncset.done $0x0  }
0xa8: {  	s28 =	sadd.s32 $0x12C00, s21;
	[sflag:s17] =	ssyncadd.s32 $0xFFFF3800  }
0xa9: {  	[hbm4b:s28+s3] =	stream.linear.scatter [tilespmem:s14], [sflag:$0x4], $0xC800, $0x38;
	[tilespmem:$0x1C608] =	vst v63  }
0xaa: {  	s29 =	rddreg [dreg:$0x12]  }
0xab: {  	[tilespmem:s16], [sflag:$0x3] =	stream.indirect.gather [spmem:s2], $0x80, s29, s13, $0xb8;
	[tilespmem:$0x1C608] =	vst v63  }
0xac: {  	_ =	swait.ge [sflag:s15], $0xC800  }
0xad: {  	[sflag:s15] =	ssyncset.done $0x0  }
0xae: {  	[sflag:s15] =	ssyncadd.s32 $0xFFFF3800  }
0xaf: {  	_ =	swait.ge [sflag:s17], $0xC800  }
0xb0: {  	[sflag:s17] =	ssyncset.done $0x0  }
0xb1: {  	s30 =	sadd.s32 $0x14500, s21;
	[sflag:s17] =	ssyncadd.s32 $0xFFFF3800  }
0xb2: {  	[hbm4b:s30+s3] =	stream.linear.scatter [tilespmem:s16], [sflag:$0x4], $0xC800, $0x38;
	[tilespmem:$0x1C608] =	vst v63  }
0xb3: {  	s31 =	rddreg [dreg:$0x13]  }
0xb4: {  	[tilespmem:s14], [sflag:$0x3] =	stream.indirect.gather [spmem:s2], $0x80, s31, s13, $0xb8;
	[tilespmem:$0x1C608] =	vst v63  }
0xb5: {  	_ =	swait.ge [sflag:s15], $0xC800  }
0xb6: {  	[sflag:s15] =	ssyncset.done $0x0  }
0xb7: {  	[sflag:s15] =	ssyncadd.s32 $0xFFFF3800  }
0xb8: {  	_ =	swait.ge [sflag:s17], $0xC800  }
0xb9: {  	[sflag:s17] =	ssyncset.done $0x0  }
0xba: {  	s22 =	sadd.s32 $0x15E00, s21;
	[sflag:s17] =	ssyncadd.s32 $0xFFFF3800  }
0xbb: {  	[hbm4b:s22+s3] =	stream.linear.scatter [tilespmem:s14], [sflag:$0x4], $0xC800, $0x38;
	[tilespmem:$0x1C608] =	vst v63  }
0xbc: {  	s23 =	rddreg [dreg:$0x14]  }
0xbd: {  	[tilespmem:s16], [sflag:$0x3] =	stream.indirect.gather [spmem:s2], $0x80, s23, s13, $0xb8;
	[tilespmem:$0x1C608] =	vst v63  }
0xbe: {  	_ =	swait.ge [sflag:s15], $0xC800  }
0xbf: {  	[sflag:s15] =	ssyncset.done $0x0  }
0xc0: {  	[sflag:s15] =	ssyncadd.s32 $0xFFFF3800  }
0xc1: {  	_ =	swait.ge [sflag:s17], $0xC800  }
0xc2: {  	p1 =	por $0x0, $0x0;
	[sflag:s17] =	ssyncset.done $0x0  }
0xc3: {  	s24 =	sadd.s32 $0x17700, s21;
	s22 =	sshrl.u32 @!p1 s7, $0x3;
	[sflag:s17] =	ssyncadd.s32 $0xFFFF3800  }
0xc4: {  	[hbm4b:s24+s3] =	stream.linear.scatter [tilespmem:s16], [sflag:$0x4], $0xC800, $0x38;
	[tilespmem:$0x1C608] =	vst v63  }
0xc5: {  	s20 =	simm.s32 @!p1 $0x408;
	s22 =	sadd.s32 @!p1 s4, s22;
	s23 =	simm.s32 @!p1 $0x0  }
0xc6: {  	[tilespmem:s20], [sflag:$0x1] =	stream.linear.gather @!p1 [hbm4b:s22+s23], $0x1900, $0x38;
	[tilespmem:$0x1C608] =	vst v63  }
0xc7: {  	_ =	swait.ge [sflag:s18], $0x1900  }
0xc8: {  	[sflag:s18] =	ssyncset.done $0x0  }
0xc9: {  	[sflag:s18] =	ssyncadd.s32 $0xFFFFE700  }
0xca: {  	[tilespmem:s14], [sflag:$0x3] =	stream.indirect.gather [spmem:s2], $0x80, s11, s13, $0xb8;
	[tilespmem:$0x1C608] =	vst v63  }
0xcb: {  	_ =	swait.ge [sflag:s15], $0xC800  }
0xcc: {  	[sflag:s15] =	ssyncset.done $0x0  }
0xcd: {  	[sflag:s15] =	ssyncadd.s32 $0xFFFF3800  }
0xce: {  	_ =	swait.ge [sflag:s17], $0xC800  }
0xcf: {  	[sflag:s17] =	ssyncset.done $0x0  }
0xd0: {  	s25 =	sadd.s32 $0x19000, s21;
	[sflag:s17] =	ssyncadd.s32 $0xFFFF3800  }
0xd1: {  	[hbm4b:s25+s3] =	stream.linear.scatter [tilespmem:s14], [sflag:$0x4], $0xC800, $0x38;
	[tilespmem:$0x1C608] =	vst v63  }
0xd2: {  	s26 =	rddreg [dreg:$0x15]  }
0xd3: {  	[tilespmem:s16], [sflag:$0x3] =	stream.indirect.gather [spmem:s2], $0x80, s26, s13, $0xb8;
	[tilespmem:$0x1C608] =	vst v63  }
0xd4: {  	_ =	swait.ge [sflag:s15], $0xC800  }
0xd5: {  	[sflag:s15] =	ssyncset.done $0x0  }
0xd6: {  	[sflag:s15] =	ssyncadd.s32 $0xFFFF3800  }
0xd7: {  	_ =	swait.ge [sflag:s17], $0xC800  }
0xd8: {  	[sflag:s17] =	ssyncset.done $0x0  }
0xd9: {  	s28 =	sadd.s32 $0x1A900, s21;
	[sflag:s17] =	ssyncadd.s32 $0xFFFF3800  }
0xda: {  	[hbm4b:s28+s3] =	stream.linear.scatter [tilespmem:s16], [sflag:$0x4], $0xC800, $0x38;
	[tilespmem:$0x1C608] =	vst v63  }
0xdb: {  	s29 =	rddreg [dreg:$0x16]  }
0xdc: {  	[tilespmem:s14], [sflag:$0x3] =	stream.indirect.gather [spmem:s2], $0x80, s29, s13, $0xb8;
	[tilespmem:$0x1C608] =	vst v63  }
0xdd: {  	_ =	swait.ge [sflag:s15], $0xC800  }
0xde: {  	[sflag:s15] =	ssyncset.done $0x0  }
0xdf: {  	[sflag:s15] =	ssyncadd.s32 $0xFFFF3800  }
0xe0: {  	_ =	swait.ge [sflag:s17], $0xC800  }
0xe1: {  	[sflag:s17] =	ssyncset.done $0x0  }
0xe2: {  	s30 =	sadd.s32 $0x1C200, s21;
	[sflag:s17] =	ssyncadd.s32 $0xFFFF3800  }
0xe3: {  	[hbm4b:s30+s3] =	stream.linear.scatter [tilespmem:s14], [sflag:$0x4], $0xC800, $0x38;
	[tilespmem:$0x1C608] =	vst v63  }
0xe4: {  	s31 =	rddreg [dreg:$0x17]  }
0xe5: {  	[tilespmem:s16], [sflag:$0x3] =	stream.indirect.gather [spmem:s2], $0x80, s31, s13, $0xb8;
	[tilespmem:$0x1C608] =	vst v63  }
0xe6: {  	_ =	swait.ge [sflag:s15], $0xC800  }
0xe7: {  	[sflag:s15] =	ssyncset.done $0x0  }
0xe8: {  	[sflag:s15] =	ssyncadd.s32 $0xFFFF3800  }
0xe9: {  	_ =	swait.ge [sflag:s17], $0xC800  }
0xea: {  	[sflag:s17] =	ssyncset.done $0x0  }
0xeb: {  	s23 =	sadd.s32 $0x1DB00, s21;
	[sflag:s17] =	ssyncadd.s32 $0xFFFF3800  }
0xec: {  	[hbm4b:s23+s3] =	stream.linear.scatter [tilespmem:s16], [sflag:$0x4], $0xC800, $0x38;
	[tilespmem:$0x1C608] =	vst v63  }
0xed: {  	s24 =	rddreg [dreg:$0x18]  }
0xee: {  	[tilespmem:s14], [sflag:$0x3] =	stream.indirect.gather [spmem:s2], $0x80, s24, s13, $0xb8;
	[tilespmem:$0x1C608] =	vst v63  }
0xef: {  	_ =	swait.ge [sflag:s15], $0xC800  }
0xf0: {  	[sflag:s15] =	ssyncset.done $0x0  }
0xf1: {  	[sflag:s15] =	ssyncadd.s32 $0xFFFF3800  }
0xf2: {  	_ =	swait.ge [sflag:s17], $0xC800  }
0xf3: {  	[sflag:s17] =	ssyncset.done $0x0  }
0xf4: {  	s25 =	sadd.s32 $0x1F400, s21;
	[sflag:s17] =	ssyncadd.s32 $0xFFFF3800  }
0xf5: {  	[hbm4b:s25+s3] =	stream.linear.scatter [tilespmem:s14], [sflag:$0x4], $0xC800, $0x38;
	[tilespmem:$0x1C608] =	vst v63  }
0xf6: {  	s26 =	rddreg [dreg:$0x19]  }
0xf7: {  	[tilespmem:s16], [sflag:$0x3] =	stream.indirect.gather [spmem:s2], $0x80, s26, s13, $0xb8;
	[tilespmem:$0x1C608] =	vst v63  }
0xf8: {  	_ =	swait.ge [sflag:s15], $0xC800  }
0xf9: {  	[sflag:s15] =	ssyncset.done $0x0  }
0xfa: {  	[sflag:s15] =	ssyncadd.s32 $0xFFFF3800  }
0xfb: {  	_ =	swait.ge [sflag:s17], $0xC800  }
0xfc: {  	[sflag:s17] =	ssyncset.done $0x0  }
0xfd: {  	s28 =	sadd.s32 $0x20D00, s21;
	[sflag:s17] =	ssyncadd.s32 $0xFFFF3800  }
0xfe: {  	[hbm4b:s28+s3] =	stream.linear.scatter [tilespmem:s16], [sflag:$0x4], $0xC800, $0x38;
	[tilespmem:$0x1C608] =	vst v63  }
0xff: {  	s29 =	rddreg [dreg:$0x1a]  }
0x100: {  	[tilespmem:s14], [sflag:$0x3] =	stream.indirect.gather [spmem:s2], $0x80, s29, s13, $0xb8;
	[tilespmem:$0x1C608] =	vst v63  }
0x101: {  	_ =	swait.ge [sflag:s15], $0xC800  }
0x102: {  	[sflag:s15] =	ssyncset.done $0x0  }
0x103: {  	[sflag:s15] =	ssyncadd.s32 $0xFFFF3800  }
0x104: {  	_ =	swait.ge [sflag:s17], $0xC800  }
0x105: {  	[sflag:s17] =	ssyncset.done $0x0  }
0x106: {  	s30 =	sadd.s32 $0x22600, s21;
	[sflag:s17] =	ssyncadd.s32 $0xFFFF3800  }
0x107: {  	[hbm4b:s30+s3] =	stream.linear.scatter [tilespmem:s14], [sflag:$0x4], $0xC800, $0x38;
	[tilespmem:$0x1C608] =	vst v63  }
0x108: {  	s31 =	rddreg [dreg:$0x1b]  }
0x109: {  	[tilespmem:s16], [sflag:$0x3] =	stream.indirect.gather [spmem:s2], $0x80, s31, s13, $0xb8;
	[tilespmem:$0x1C608] =	vst v63  }
0x10a: {  	_ =	swait.ge [sflag:s15], $0xC800  }
0x10b: {  	[sflag:s15] =	ssyncset.done $0x0  }
0x10c: {  	[sflag:s15] =	ssyncadd.s32 $0xFFFF3800  }
0x10d: {  	_ =	swait.ge [sflag:s17], $0xC800  }
0x10e: {  	[sflag:s17] =	ssyncset.done $0x0  }
0x10f: {  	s23 =	sadd.s32 $0x23F00, s21;
	[sflag:s17] =	ssyncadd.s32 $0xFFFF3800  }
0x110: {  	[hbm4b:s23+s3] =	stream.linear.scatter [tilespmem:s16], [sflag:$0x4], $0xC800, $0x38;
	[tilespmem:$0x1C608] =	vst v63  }
0x111: {  	s24 =	rddreg [dreg:$0x1c]  }
0x112: {  	[tilespmem:s14], [sflag:$0x3] =	stream.indirect.gather [spmem:s2], $0x80, s24, s13, $0xb8;
	[tilespmem:$0x1C608] =	vst v63  }
0x113: {  	_ =	swait.ge [sflag:s15], $0xC800  }
0x114: {  	[sflag:s15] =	ssyncset.done $0x0  }
0x115: {  	[sflag:s15] =	ssyncadd.s32 $0xFFFF3800  }
0x116: {  	_ =	swait.ge [sflag:s17], $0xC800  }
0x117: {  	[sflag:s17] =	ssyncset.done $0x0  }
0x118: {  	s25 =	sadd.s32 $0x25800, s21;
	[sflag:s17] =	ssyncadd.s32 $0xFFFF3800  }
0x119: {  	[hbm4b:s25+s3] =	stream.linear.scatter [tilespmem:s14], [sflag:$0x4], $0xC800, $0x38;
	[tilespmem:$0x1C608] =	vst v63  }
0x11a: {  	s26 =	rddreg [dreg:$0x1d]  }
0x11b: {  	[tilespmem:s16], [sflag:$0x3] =	stream.indirect.gather [spmem:s2], $0x80, s26, s13, $0xb8;
	[tilespmem:$0x1C608] =	vst v63  }
0x11c: {  	_ =	swait.ge [sflag:s15], $0xC800  }
0x11d: {  	[sflag:s15] =	ssyncset.done $0x0  }
0x11e: {  	[sflag:s15] =	ssyncadd.s32 $0xFFFF3800  }
0x11f: {  	_ =	swait.ge [sflag:s17], $0xC800  }
0x120: {  	[sflag:s17] =	ssyncset.done $0x0  }
0x121: {  	s28 =	sadd.s32 $0x27100, s21;
	[sflag:s17] =	ssyncadd.s32 $0xFFFF3800  }
0x122: {  	[hbm4b:s28+s3] =	stream.linear.scatter [tilespmem:s16], [sflag:$0x4], $0xC800, $0x38;
	[tilespmem:$0x1C608] =	vst v63  }
0x123: {  	s29 =	rddreg [dreg:$0x1e]  }
0x124: {  	[tilespmem:s14], [sflag:$0x3] =	stream.indirect.gather [spmem:s2], $0x80, s29, s13, $0xb8;
	[tilespmem:$0x1C608] =	vst v63  }
0x125: {  	_ =	swait.ge [sflag:s15], $0xC800  }
0x126: {  	[sflag:s15] =	ssyncset.done $0x0  }
0x127: {  	[sflag:s15] =	ssyncadd.s32 $0xFFFF3800  }
0x128: {  	_ =	swait.ge [sflag:s17], $0xC800  }
0x129: {  	[sflag:s17] =	ssyncset.done $0x0  }
0x12a: {  	s30 =	sadd.s32 $0x28A00, s21;
	[sflag:s17] =	ssyncadd.s32 $0xFFFF3800  }
0x12b: {  	[hbm4b:s30+s3] =	stream.linear.scatter [tilespmem:s14], [sflag:$0x4], $0xC800, $0x38;
	[tilespmem:$0x1C608] =	vst v63  }
0x12c: {  	s31 =	rddreg [dreg:$0x1f]  }
0x12d: {  	[tilespmem:s16], [sflag:$0x3] =	stream.indirect.gather [spmem:s2], $0x80, s31, s13, $0xb8;
	[tilespmem:$0x1C608] =	vst v63  }
0x12e: {  	_ =	swait.ge [sflag:s15], $0xC800  }
0x12f: {  	[sflag:s15] =	ssyncset.done $0x0  }
0x130: {  	[sflag:s15] =	ssyncadd.s32 $0xFFFF3800  }
0x131: {  	_ =	swait.ge [sflag:s17], $0xC800  }
0x132: {  	[sflag:s17] =	ssyncset.done $0x0  }
0x133: {  	s23 =	sadd.s32 $0x2A300, s21;
	s24 =	sld [smem:$0x7FA];
	[sflag:s17] =	ssyncadd.s32 $0xFFFF3800  }
0x134: {  	[hbm4b:s23+s3] =	stream.linear.scatter [tilespmem:s16], [sflag:$0x4], $0xC800, $0x38;
	[tilespmem:$0x1C608] =	vst v63  }
0x135: {  	_ = 	snop  }
0x136: {  	[tilespmem:s14], [sflag:$0x3] =	stream.indirect.gather [spmem:s2], $0x80, s24, s13, $0xb8;
	[tilespmem:$0x1C608] =	vst v63  }
0x137: {  	_ =	swait.ge [sflag:s15], $0xC800  }
0x138: {  	[sflag:s15] =	ssyncset.done $0x0  }
0x139: {  	[sflag:s15] =	ssyncadd.s32 $0xFFFF3800  }
0x13a: {  	_ =	swait.ge [sflag:s17], $0xC800  }
0x13b: {  	[sflag:s17] =	ssyncset.done $0x0  }
0x13c: {  	s25 =	sadd.s32 $0x2BC00, s21;
	s26 =	sld [smem:$0x7FB];
	[sflag:s17] =	ssyncadd.s32 $0xFFFF3800  }
0x13d: {  	[hbm4b:s25+s3] =	stream.linear.scatter [tilespmem:s14], [sflag:$0x4], $0xC800, $0x38;
	[tilespmem:$0x1C608] =	vst v63  }
0x13e: {  	_ = 	snop  }
0x13f: {  	[tilespmem:s16], [sflag:$0x3] =	stream.indirect.gather [spmem:s2], $0x80, s26, s13, $0xb8;
	[tilespmem:$0x1C608] =	vst v63  }
0x140: {  	_ =	swait.ge [sflag:s15], $0xC800  }
0x141: {  	[sflag:s15] =	ssyncset.done $0x0  }
0x142: {  	[sflag:s15] =	ssyncadd.s32 $0xFFFF3800  }
0x143: {  	_ =	swait.ge [sflag:s17], $0xC800  }
0x144: {  	[sflag:s17] =	ssyncset.done $0x0  }
0x145: {  	s28 =	sadd.s32 $0x2D500, s21;
	s29 =	sld [smem:$0x7FC];
	[sflag:s17] =	ssyncadd.s32 $0xFFFF3800  }
0x146: {  	[hbm4b:s28+s3] =	stream.linear.scatter [tilespmem:s16], [sflag:$0x4], $0xC800, $0x38;
	[tilespmem:$0x1C608] =	vst v63  }
0x147: {  	_ = 	snop  }
0x148: {  	[tilespmem:s14], [sflag:$0x3] =	stream.indirect.gather [spmem:s2], $0x80, s29, s13, $0xb8;
	[tilespmem:$0x1C608] =	vst v63  }
0x149: {  	_ =	swait.ge [sflag:s15], $0xC800  }
0x14a: {  	[sflag:s15] =	ssyncset.done $0x0  }
0x14b: {  	[sflag:s15] =	ssyncadd.s32 $0xFFFF3800  }
0x14c: {  	_ =	swait.ge [sflag:s17], $0xC800  }
0x14d: {  	[sflag:s17] =	ssyncset.done $0x0  }
0x14e: {  	s30 =	sadd.s32 $0x2EE00, s21;
	s31 =	sld [smem:$0x7FD];
	[sflag:s17] =	ssyncadd.s32 $0xFFFF3800  }
0x14f: {  	[hbm4b:s30+s3] =	stream.linear.scatter [tilespmem:s14], [sflag:$0x4], $0xC800, $0x38;
	[tilespmem:$0x1C608] =	vst v63  }
0x150: {  	_ = 	snop  }
0x151: {  	[tilespmem:s16], [sflag:$0x3] =	stream.indirect.gather [spmem:s2], $0x80, s31, s13, $0xb8;
	[tilespmem:$0x1C608] =	vst v63  }
0x152: {  	_ =	swait.ge [sflag:s15], $0xC800  }
0x153: {  	[sflag:s15] =	ssyncset.done $0x0  }
0x154: {  	[sflag:s15] =	ssyncadd.s32 $0xFFFF3800  }
0x155: {  	s20 =	simm.s32 $0x32000;
	s22 =	smov.u32 s7;
	_ =	swait.ge [sflag:s17], $0xC800  }
0x156: {  	s23 =	sadd.s32 $0x30700, s21;
	s21 =	sadd.s32 $0x640, s8;
	[sflag:s17] =	ssyncset.done $0x0  }
.LBB2_2:
0x157: {  	[sflag:s17] =	ssyncadd.s32 $0xFFFF3800  }
0x158: {  	[hbm4b:s23+s3] =	stream.linear.scatter [tilespmem:s16], [sflag:$0x4], $0xC800, $0x38;
	[tilespmem:$0x1C608] =	vst v63  }
0x159: {  	_ = 	snop  }
0x15a: {  	[tilespmem:s11], [sflag:$0x2] =	stream.linear.gather [hbm4b:s21+s3], $0x1900, $0x38;
	[tilespmem:$0x1C608] =	vst v63  }
0x15b: {  	_ =	swait.ge [sflag:s12], $0x1900  }
0x15c: {  	[sflag:s12] =	ssyncset.done $0x0  }
0x15d: {  	[sflag:s12] =	ssyncadd.s32 $0xFFFFE700  }
0x15e: {  	[tilespmem:s14], [sflag:$0x3] =	stream.indirect.gather [spmem:s2], $0x80, s10, s13, $0xb8;
	[tilespmem:$0x1C608] =	vst v63  }
0x15f: {  	s24 =	smov.u32 s20;
	_ =	swait.ge [sflag:s15], $0xC800  }
0x160: {  	p2 =	seq.s32 s24, $0x0;
	[sflag:s15] =	ssyncset.done $0x0  }
0x161: {  	s23 =	simm.s32 @!p2 $0x4;
	[sflag:s15] =	ssyncadd.s32 $0xFFFF3800  }
0x162: {  	_ =	swait.ge @!p2 [sflag:s23], $0xC800  }
0x163: {  	s25 =	rddreg [dreg:$0x5];
	[sflag:s23] =	ssyncset.done @!p2 $0x0  }
0x164: {  	[sflag:s23] =	ssyncadd.s32 @!p2 $0xFFFF3800;
	s23 =	sadd.s32 s24, s25  }
0x165: {  	[hbm4b:s23+s3] =	stream.linear.scatter [tilespmem:s14], [sflag:$0x4], $0xC800, $0x38;
	[tilespmem:$0x1C608] =	vst v63  }
0x166: {  	s26 =	rddreg [dreg:$0x6]  }
0x167: {  	[tilespmem:s16], [sflag:$0x3] =	stream.indirect.gather [spmem:s2], $0x80, s26, s13, $0xb8;
	[tilespmem:$0x1C608] =	vst v63  }
0x168: {  	_ =	swait.ge [sflag:s15], $0xC800  }
0x169: {  	[sflag:s15] =	ssyncset.done $0x0  }
0x16a: {  	[sflag:s15] =	ssyncadd.s32 $0xFFFF3800  }
0x16b: {  	_ =	swait.ge [sflag:s17], $0xC800  }
0x16c: {  	[sflag:s17] =	ssyncset.done $0x0  }
0x16d: {  	s25 =	sadd.s32 $0x1900, s23;
	[sflag:s17] =	ssyncadd.s32 $0xFFFF3800  }
0x16e: {  	[hbm4b:s25+s3] =	stream.linear.scatter [tilespmem:s16], [sflag:$0x4], $0xC800, $0x38;
	[tilespmem:$0x1C608] =	vst v63  }
0x16f: {  	s29 =	rddreg [dreg:$0x7]  }
0x170: {  	[tilespmem:s14], [sflag:$0x3] =	stream.indirect.gather [spmem:s2], $0x80, s29, s13, $0xb8;
	[tilespmem:$0x1C608] =	vst v63  }
0x171: {  	_ =	swait.ge [sflag:s15], $0xC800  }
0x172: {  	[sflag:s15] =	ssyncset.done $0x0  }
0x173: {  	[sflag:s15] =	ssyncadd.s32 $0xFFFF3800  }
0x174: {  	_ =	swait.ge [sflag:s17], $0xC800  }
0x175: {  	[sflag:s17] =	ssyncset.done $0x0  }
0x176: {  	s30 =	sadd.s32 $0x3200, s23;
	[sflag:s17] =	ssyncadd.s32 $0xFFFF3800  }
0x177: {  	[hbm4b:s30+s3] =	stream.linear.scatter [tilespmem:s14], [sflag:$0x4], $0xC800, $0x38;
	[tilespmem:$0x1C608] =	vst v63  }
0x178: {  	s31 =	rddreg [dreg:$0x8]  }
0x179: {  	[tilespmem:s16], [sflag:$0x3] =	stream.indirect.gather [spmem:s2], $0x80, s31, s13, $0xb8;
	[tilespmem:$0x1C608] =	vst v63  }
0x17a: {  	_ =	swait.ge [sflag:s15], $0xC800  }
0x17b: {  	[sflag:s15] =	ssyncset.done $0x0  }
0x17c: {  	[sflag:s15] =	ssyncadd.s32 $0xFFFF3800  }
0x17d: {  	_ =	swait.ge [sflag:s17], $0xC800  }
0x17e: {  	[sflag:s17] =	ssyncset.done $0x0  }
0x17f: {  	s28 =	sadd.s32 $0x4B00, s23;
	[sflag:s17] =	ssyncadd.s32 $0xFFFF3800  }
0x180: {  	[hbm4b:s28+s3] =	stream.linear.scatter [tilespmem:s16], [sflag:$0x4], $0xC800, $0x38;
	[tilespmem:$0x1C608] =	vst v63  }
0x181: {  	s29 =	rddreg [dreg:$0x9]  }
0x182: {  	[tilespmem:s14], [sflag:$0x3] =	stream.indirect.gather [spmem:s2], $0x80, s29, s13, $0xb8;
	[tilespmem:$0x1C608] =	vst v63  }
0x183: {  	_ =	swait.ge [sflag:s15], $0xC800  }
0x184: {  	[sflag:s15] =	ssyncset.done $0x0  }
0x185: {  	[sflag:s15] =	ssyncadd.s32 $0xFFFF3800  }
0x186: {  	_ =	swait.ge [sflag:s17], $0xC800  }
0x187: {  	[sflag:s17] =	ssyncset.done $0x0  }
0x188: {  	s30 =	sadd.s32 $0x6400, s23;
	[sflag:s17] =	ssyncadd.s32 $0xFFFF3800  }
0x189: {  	[hbm4b:s30+s3] =	stream.linear.scatter [tilespmem:s14], [sflag:$0x4], $0xC800, $0x38;
	[tilespmem:$0x1C608] =	vst v63  }
0x18a: {  	s31 =	rddreg [dreg:$0xa]  }
0x18b: {  	[tilespmem:s16], [sflag:$0x3] =	stream.indirect.gather [spmem:s2], $0x80, s31, s13, $0xb8;
	[tilespmem:$0x1C608] =	vst v63  }
0x18c: {  	_ =	swait.ge [sflag:s15], $0xC800  }
0x18d: {  	[sflag:s15] =	ssyncset.done $0x0  }
0x18e: {  	[sflag:s15] =	ssyncadd.s32 $0xFFFF3800  }
0x18f: {  	_ =	swait.ge [sflag:s17], $0xC800  }
0x190: {  	[sflag:s17] =	ssyncset.done $0x0  }
0x191: {  	s28 =	sadd.s32 $0x7D00, s23;
	[sflag:s17] =	ssyncadd.s32 $0xFFFF3800  }
0x192: {  	[hbm4b:s28+s3] =	stream.linear.scatter [tilespmem:s16], [sflag:$0x4], $0xC800, $0x38;
	[tilespmem:$0x1C608] =	vst v63  }
0x193: {  	s29 =	rddreg [dreg:$0xb]  }
0x194: {  	[tilespmem:s14], [sflag:$0x3] =	stream.indirect.gather [spmem:s2], $0x80, s29, s13, $0xb8;
	[tilespmem:$0x1C608] =	vst v63  }
0x195: {  	_ =	swait.ge [sflag:s15], $0xC800  }
0x196: {  	[sflag:s15] =	ssyncset.done $0x0  }
0x197: {  	[sflag:s15] =	ssyncadd.s32 $0xFFFF3800  }
0x198: {  	_ =	swait.ge [sflag:s17], $0xC800  }
0x199: {  	[sflag:s17] =	ssyncset.done $0x0  }
0x19a: {  	s30 =	sadd.s32 $0x9600, s23;
	[sflag:s17] =	ssyncadd.s32 $0xFFFF3800  }
0x19b: {  	[hbm4b:s30+s3] =	stream.linear.scatter [tilespmem:s14], [sflag:$0x4], $0xC800, $0x38;
	[tilespmem:$0x1C608] =	vst v63  }
0x19c: {  	s31 =	rddreg [dreg:$0xc]  }
0x19d: {  	[tilespmem:s16], [sflag:$0x3] =	stream.indirect.gather [spmem:s2], $0x80, s31, s13, $0xb8;
	[tilespmem:$0x1C608] =	vst v63  }
0x19e: {  	_ =	swait.ge [sflag:s15], $0xC800  }
0x19f: {  	[sflag:s15] =	ssyncset.done $0x0  }
0x1a0: {  	[sflag:s15] =	ssyncadd.s32 $0xFFFF3800  }
0x1a1: {  	_ =	swait.ge [sflag:s17], $0xC800  }
0x1a2: {  	[sflag:s17] =	ssyncset.done $0x0  }
0x1a3: {  	s28 =	sadd.s32 $0xAF00, s23;
	[sflag:s17] =	ssyncadd.s32 $0xFFFF3800  }
0x1a4: {  	[hbm4b:s28+s3] =	stream.linear.scatter [tilespmem:s16], [sflag:$0x4], $0xC800, $0x38;
	[tilespmem:$0x1C608] =	vst v63  }
0x1a5: {  	s29 =	rddreg [dreg:$0xd]  }
0x1a6: {  	[tilespmem:s14], [sflag:$0x3] =	stream.indirect.gather [spmem:s2], $0x80, s29, s13, $0xb8;
	[tilespmem:$0x1C608] =	vst v63  }
0x1a7: {  	_ =	swait.ge [sflag:s15], $0xC800  }
0x1a8: {  	[sflag:s15] =	ssyncset.done $0x0  }
0x1a9: {  	[sflag:s15] =	ssyncadd.s32 $0xFFFF3800  }
0x1aa: {  	_ =	swait.ge [sflag:s17], $0xC800  }
0x1ab: {  	[sflag:s17] =	ssyncset.done $0x0  }
0x1ac: {  	s30 =	sadd.s32 $0xC800, s23;
	[sflag:s17] =	ssyncadd.s32 $0xFFFF3800  }
0x1ad: {  	[hbm4b:s30+s3] =	stream.linear.scatter [tilespmem:s14], [sflag:$0x4], $0xC800, $0x38;
	[tilespmem:$0x1C608] =	vst v63  }
0x1ae: {  	s31 =	rddreg [dreg:$0xe]  }
0x1af: {  	[tilespmem:s16], [sflag:$0x3] =	stream.indirect.gather [spmem:s2], $0x80, s31, s13, $0xb8;
	[tilespmem:$0x1C608] =	vst v63  }
0x1b0: {  	_ =	swait.ge [sflag:s15], $0xC800  }
0x1b1: {  	[sflag:s15] =	ssyncset.done $0x0  }
0x1b2: {  	[sflag:s15] =	ssyncadd.s32 $0xFFFF3800  }
0x1b3: {  	_ =	swait.ge [sflag:s17], $0xC800  }
0x1b4: {  	[sflag:s17] =	ssyncset.done $0x0  }
0x1b5: {  	s28 =	sadd.s32 $0xE100, s23;
	[sflag:s17] =	ssyncadd.s32 $0xFFFF3800  }
0x1b6: {  	[hbm4b:s28+s3] =	stream.linear.scatter [tilespmem:s16], [sflag:$0x4], $0xC800, $0x38;
	[tilespmem:$0x1C608] =	vst v63  }
0x1b7: {  	s29 =	rddreg [dreg:$0xf]  }
0x1b8: {  	[tilespmem:s14], [sflag:$0x3] =	stream.indirect.gather [spmem:s2], $0x80, s29, s13, $0xb8;
	[tilespmem:$0x1C608] =	vst v63  }
0x1b9: {  	_ =	swait.ge [sflag:s15], $0xC800  }
0x1ba: {  	[sflag:s15] =	ssyncset.done $0x0  }
0x1bb: {  	[sflag:s15] =	ssyncadd.s32 $0xFFFF3800  }
0x1bc: {  	_ =	swait.ge [sflag:s17], $0xC800  }
0x1bd: {  	[sflag:s17] =	ssyncset.done $0x0  }
0x1be: {  	s30 =	sadd.s32 $0xFA00, s23;
	[sflag:s17] =	ssyncadd.s32 $0xFFFF3800  }
0x1bf: {  	[hbm4b:s30+s3] =	stream.linear.scatter [tilespmem:s14], [sflag:$0x4], $0xC800, $0x38;
	[tilespmem:$0x1C608] =	vst v63  }
0x1c0: {  	s31 =	rddreg [dreg:$0x10]  }
0x1c1: {  	[tilespmem:s16], [sflag:$0x3] =	stream.indirect.gather [spmem:s2], $0x80, s31, s13, $0xb8;
	[tilespmem:$0x1C608] =	vst v63  }
0x1c2: {  	_ =	swait.ge [sflag:s15], $0xC800  }
0x1c3: {  	[sflag:s15] =	ssyncset.done $0x0  }
0x1c4: {  	[sflag:s15] =	ssyncadd.s32 $0xFFFF3800  }
0x1c5: {  	_ =	swait.ge [sflag:s17], $0xC800  }
0x1c6: {  	[sflag:s17] =	ssyncset.done $0x0  }
0x1c7: {  	s28 =	sadd.s32 $0x11300, s23;
	[sflag:s17] =	ssyncadd.s32 $0xFFFF3800  }
0x1c8: {  	[hbm4b:s28+s3] =	stream.linear.scatter [tilespmem:s16], [sflag:$0x4], $0xC800, $0x38;
	[tilespmem:$0x1C608] =	vst v63  }
0x1c9: {  	s29 =	rddreg [dreg:$0x11]  }
0x1ca: {  	[tilespmem:s14], [sflag:$0x3] =	stream.indirect.gather [spmem:s2], $0x80, s29, s13, $0xb8;
	[tilespmem:$0x1C608] =	vst v63  }
0x1cb: {  	_ =	swait.ge [sflag:s15], $0xC800  }
0x1cc: {  	[sflag:s15] =	ssyncset.done $0x0  }
0x1cd: {  	[sflag:s15] =	ssyncadd.s32 $0xFFFF3800  }
0x1ce: {  	_ =	swait.ge [sflag:s17], $0xC800  }
0x1cf: {  	[sflag:s17] =	ssyncset.done $0x0  }
0x1d0: {  	s30 =	sadd.s32 $0x12C00, s23;
	[sflag:s17] =	ssyncadd.s32 $0xFFFF3800  }
0x1d1: {  	[hbm4b:s30+s3] =	stream.linear.scatter [tilespmem:s14], [sflag:$0x4], $0xC800, $0x38;
	[tilespmem:$0x1C608] =	vst v63  }
0x1d2: {  	s31 =	rddreg [dreg:$0x12]  }
0x1d3: {  	[tilespmem:s16], [sflag:$0x3] =	stream.indirect.gather [spmem:s2], $0x80, s31, s13, $0xb8;
	[tilespmem:$0x1C608] =	vst v63  }
0x1d4: {  	_ =	swait.ge [sflag:s15], $0xC800  }
0x1d5: {  	[sflag:s15] =	ssyncset.done $0x0  }
0x1d6: {  	[sflag:s15] =	ssyncadd.s32 $0xFFFF3800  }
0x1d7: {  	_ =	swait.ge [sflag:s17], $0xC800  }
0x1d8: {  	[sflag:s17] =	ssyncset.done $0x0  }
0x1d9: {  	s26 =	sadd.s32 $0x14500, s23;
	[sflag:s17] =	ssyncadd.s32 $0xFFFF3800  }
0x1da: {  	[hbm4b:s26+s3] =	stream.linear.scatter [tilespmem:s16], [sflag:$0x4], $0xC800, $0x38;
	[tilespmem:$0x1C608] =	vst v63  }
0x1db: {  	s28 =	rddreg [dreg:$0x13]  }
0x1dc: {  	[tilespmem:s14], [sflag:$0x3] =	stream.indirect.gather [spmem:s2], $0x80, s28, s13, $0xb8;
	[tilespmem:$0x1C608] =	vst v63  }
0x1dd: {  	_ =	swait.ge [sflag:s15], $0xC800  }
0x1de: {  	[sflag:s15] =	ssyncset.done $0x0  }
0x1df: {  	[sflag:s15] =	ssyncadd.s32 $0xFFFF3800  }
0x1e0: {  	_ =	swait.ge [sflag:s17], $0xC800  }
0x1e1: {  	[sflag:s17] =	ssyncset.done $0x0  }
0x1e2: {  	s29 =	sadd.s32 $0x15E00, s23;
	[sflag:s17] =	ssyncadd.s32 $0xFFFF3800  }
0x1e3: {  	[hbm4b:s29+s3] =	stream.linear.scatter [tilespmem:s14], [sflag:$0x4], $0xC800, $0x38;
	[tilespmem:$0x1C608] =	vst v63  }
0x1e4: {  	s30 =	rddreg [dreg:$0x14]  }
0x1e5: {  	[tilespmem:s16], [sflag:$0x3] =	stream.indirect.gather [spmem:s2], $0x80, s30, s13, $0xb8;
	[tilespmem:$0x1C608] =	vst v63  }
0x1e6: {  	_ =	swait.ge [sflag:s15], $0xC800  }
0x1e7: {  	[sflag:s15] =	ssyncset.done $0x0  }
0x1e8: {  	[sflag:s15] =	ssyncadd.s32 $0xFFFF3800  }
0x1e9: {  	_ =	swait.ge [sflag:s17], $0xC800  }
0x1ea: {  	s22 =	sadd.s32 $0x3200, s22;
	p2 =	seq.s32 s24, $0x15E000;
	[sflag:s17] =	ssyncset.done $0x0  }
0x1eb: {  	s24 =	sshrl.u32 @!p2 s22, $0x3;
	s31 =	sadd.s32 $0x17700, s23;
	[sflag:s17] =	ssyncadd.s32 $0xFFFF3800  }
0x1ec: {  	[hbm4b:s31+s3] =	stream.linear.scatter [tilespmem:s16], [sflag:$0x4], $0xC800, $0x38;
	[tilespmem:$0x1C608] =	vst v63  }
0x1ed: {  	s24 =	sadd.s32 @!p2 s4, s24;
	s25 =	simm.s32 @!p2 $0x0;
	s26 =	simm.s32 @!p2 $0x408  }
0x1ee: {  	[tilespmem:s26], [sflag:$0x1] =	stream.linear.gather @!p2 [hbm4b:s24+s25], $0x1900, $0x38;
	[tilespmem:$0x1C608] =	vst v63  }
0x1ef: {  	_ =	swait.ge [sflag:s18], $0x1900  }
0x1f0: {  	[sflag:s18] =	ssyncset.done $0x0  }
0x1f1: {  	[sflag:s18] =	ssyncadd.s32 $0xFFFFE700  }
0x1f2: {  	[tilespmem:s14], [sflag:$0x3] =	stream.indirect.gather [spmem:s2], $0x80, s11, s13, $0xb8;
	[tilespmem:$0x1C608] =	vst v63  }
0x1f3: {  	_ =	swait.ge [sflag:s15], $0xC800  }
0x1f4: {  	[sflag:s15] =	ssyncset.done $0x0  }
0x1f5: {  	[sflag:s15] =	ssyncadd.s32 $0xFFFF3800  }
0x1f6: {  	_ =	swait.ge [sflag:s17], $0xC800  }
0x1f7: {  	[sflag:s17] =	ssyncset.done $0x0  }
0x1f8: {  	s25 =	sadd.s32 $0x19000, s23;
	[sflag:s17] =	ssyncadd.s32 $0xFFFF3800  }
0x1f9: {  	[hbm4b:s25+s3] =	stream.linear.scatter [tilespmem:s14], [sflag:$0x4], $0xC800, $0x38;
	[tilespmem:$0x1C608] =	vst v63  }
0x1fa: {  	s26 =	rddreg [dreg:$0x15]  }
0x1fb: {  	[tilespmem:s16], [sflag:$0x3] =	stream.indirect.gather [spmem:s2], $0x80, s26, s13, $0xb8;
	[tilespmem:$0x1C608] =	vst v63  }
0x1fc: {  	_ =	swait.ge [sflag:s15], $0xC800  }
0x1fd: {  	[sflag:s15] =	ssyncset.done $0x0  }
0x1fe: {  	[sflag:s15] =	ssyncadd.s32 $0xFFFF3800  }
0x1ff: {  	_ =	swait.ge [sflag:s17], $0xC800  }
0x200: {  	[sflag:s17] =	ssyncset.done $0x0  }
0x201: {  	s28 =	sadd.s32 $0x1A900, s23;
	[sflag:s17] =	ssyncadd.s32 $0xFFFF3800  }
0x202: {  	[hbm4b:s28+s3] =	stream.linear.scatter [tilespmem:s16], [sflag:$0x4], $0xC800, $0x38;
	[tilespmem:$0x1C608] =	vst v63  }
0x203: {  	s29 =	rddreg [dreg:$0x16]  }
0x204: {  	[tilespmem:s14], [sflag:$0x3] =	stream.indirect.gather [spmem:s2], $0x80, s29, s13, $0xb8;
	[tilespmem:$0x1C608] =	vst v63  }
0x205: {  	_ =	swait.ge [sflag:s15], $0xC800  }
0x206: {  	[sflag:s15] =	ssyncset.done $0x0  }
0x207: {  	[sflag:s15] =	ssyncadd.s32 $0xFFFF3800  }
0x208: {  	_ =	swait.ge [sflag:s17], $0xC800  }
0x209: {  	[sflag:s17] =	ssyncset.done $0x0  }
0x20a: {  	s30 =	sadd.s32 $0x1C200, s23;
	[sflag:s17] =	ssyncadd.s32 $0xFFFF3800  }
0x20b: {  	[hbm4b:s30+s3] =	stream.linear.scatter [tilespmem:s14], [sflag:$0x4], $0xC800, $0x38;
	[tilespmem:$0x1C608] =	vst v63  }
0x20c: {  	s31 =	rddreg [dreg:$0x17]  }
0x20d: {  	[tilespmem:s16], [sflag:$0x3] =	stream.indirect.gather [spmem:s2], $0x80, s31, s13, $0xb8;
	[tilespmem:$0x1C608] =	vst v63  }
0x20e: {  	_ =	swait.ge [sflag:s15], $0xC800  }
0x20f: {  	[sflag:s15] =	ssyncset.done $0x0  }
0x210: {  	[sflag:s15] =	ssyncadd.s32 $0xFFFF3800  }
0x211: {  	_ =	swait.ge [sflag:s17], $0xC800  }
0x212: {  	[sflag:s17] =	ssyncset.done $0x0  }
0x213: {  	s25 =	sadd.s32 $0x1DB00, s23;
	[sflag:s17] =	ssyncadd.s32 $0xFFFF3800  }
0x214: {  	[hbm4b:s25+s3] =	stream.linear.scatter [tilespmem:s16], [sflag:$0x4], $0xC800, $0x38;
	[tilespmem:$0x1C608] =	vst v63  }
0x215: {  	s26 =	rddreg [dreg:$0x18]  }
0x216: {  	[tilespmem:s14], [sflag:$0x3] =	stream.indirect.gather [spmem:s2], $0x80, s26, s13, $0xb8;
	[tilespmem:$0x1C608] =	vst v63  }
0x217: {  	_ =	swait.ge [sflag:s15], $0xC800  }
0x218: {  	[sflag:s15] =	ssyncset.done $0x0  }
0x219: {  	[sflag:s15] =	ssyncadd.s32 $0xFFFF3800  }
0x21a: {  	_ =	swait.ge [sflag:s17], $0xC800  }
0x21b: {  	[sflag:s17] =	ssyncset.done $0x0  }
0x21c: {  	s28 =	sadd.s32 $0x1F400, s23;
	[sflag:s17] =	ssyncadd.s32 $0xFFFF3800  }
0x21d: {  	[hbm4b:s28+s3] =	stream.linear.scatter [tilespmem:s14], [sflag:$0x4], $0xC800, $0x38;
	[tilespmem:$0x1C608] =	vst v63  }
0x21e: {  	s29 =	rddreg [dreg:$0x19]  }
0x21f: {  	[tilespmem:s16], [sflag:$0x3] =	stream.indirect.gather [spmem:s2], $0x80, s29, s13, $0xb8;
	[tilespmem:$0x1C608] =	vst v63  }
0x220: {  	_ =	swait.ge [sflag:s15], $0xC800  }
0x221: {  	[sflag:s15] =	ssyncset.done $0x0  }
0x222: {  	[sflag:s15] =	ssyncadd.s32 $0xFFFF3800  }
0x223: {  	_ =	swait.ge [sflag:s17], $0xC800  }
0x224: {  	[sflag:s17] =	ssyncset.done $0x0  }
0x225: {  	s30 =	sadd.s32 $0x20D00, s23;
	[sflag:s17] =	ssyncadd.s32 $0xFFFF3800  }
0x226: {  	[hbm4b:s30+s3] =	stream.linear.scatter [tilespmem:s16], [sflag:$0x4], $0xC800, $0x38;
	[tilespmem:$0x1C608] =	vst v63  }
0x227: {  	s31 =	rddreg [dreg:$0x1a]  }
0x228: {  	[tilespmem:s14], [sflag:$0x3] =	stream.indirect.gather [spmem:s2], $0x80, s31, s13, $0xb8;
	[tilespmem:$0x1C608] =	vst v63  }
0x229: {  	_ =	swait.ge [sflag:s15], $0xC800  }
0x22a: {  	[sflag:s15] =	ssyncset.done $0x0  }
0x22b: {  	[sflag:s15] =	ssyncadd.s32 $0xFFFF3800  }
0x22c: {  	_ =	swait.ge [sflag:s17], $0xC800  }
0x22d: {  	[sflag:s17] =	ssyncset.done $0x0  }
0x22e: {  	s25 =	sadd.s32 $0x22600, s23;
	[sflag:s17] =	ssyncadd.s32 $0xFFFF3800  }
0x22f: {  	[hbm4b:s25+s3] =	stream.linear.scatter [tilespmem:s14], [sflag:$0x4], $0xC800, $0x38;
	[tilespmem:$0x1C608] =	vst v63  }
0x230: {  	s26 =	rddreg [dreg:$0x1b]  }
0x231: {  	[tilespmem:s16], [sflag:$0x3] =	stream.indirect.gather [spmem:s2], $0x80, s26, s13, $0xb8;
	[tilespmem:$0x1C608] =	vst v63  }
0x232: {  	_ =	swait.ge [sflag:s15], $0xC800  }
0x233: {  	[sflag:s15] =	ssyncset.done $0x0  }
0x234: {  	[sflag:s15] =	ssyncadd.s32 $0xFFFF3800  }
0x235: {  	_ =	swait.ge [sflag:s17], $0xC800  }
0x236: {  	[sflag:s17] =	ssyncset.done $0x0  }
0x237: {  	s28 =	sadd.s32 $0x23F00, s23;
	[sflag:s17] =	ssyncadd.s32 $0xFFFF3800  }
0x238: {  	[hbm4b:s28+s3] =	stream.linear.scatter [tilespmem:s16], [sflag:$0x4], $0xC800, $0x38;
	[tilespmem:$0x1C608] =	vst v63  }
0x239: {  	s29 =	rddreg [dreg:$0x1c]  }
0x23a: {  	[tilespmem:s14], [sflag:$0x3] =	stream.indirect.gather [spmem:s2], $0x80, s29, s13, $0xb8;
	[tilespmem:$0x1C608] =	vst v63  }
0x23b: {  	_ =	swait.ge [sflag:s15], $0xC800  }
0x23c: {  	[sflag:s15] =	ssyncset.done $0x0  }
0x23d: {  	[sflag:s15] =	ssyncadd.s32 $0xFFFF3800  }
0x23e: {  	_ =	swait.ge [sflag:s17], $0xC800  }
0x23f: {  	[sflag:s17] =	ssyncset.done $0x0  }
0x240: {  	s30 =	sadd.s32 $0x25800, s23;
	[sflag:s17] =	ssyncadd.s32 $0xFFFF3800  }
0x241: {  	[hbm4b:s30+s3] =	stream.linear.scatter [tilespmem:s14], [sflag:$0x4], $0xC800, $0x38;
	[tilespmem:$0x1C608] =	vst v63  }
0x242: {  	s31 =	rddreg [dreg:$0x1d]  }
0x243: {  	[tilespmem:s16], [sflag:$0x3] =	stream.indirect.gather [spmem:s2], $0x80, s31, s13, $0xb8;
	[tilespmem:$0x1C608] =	vst v63  }
0x244: {  	_ =	swait.ge [sflag:s15], $0xC800  }
0x245: {  	[sflag:s15] =	ssyncset.done $0x0  }
0x246: {  	[sflag:s15] =	ssyncadd.s32 $0xFFFF3800  }
0x247: {  	_ =	swait.ge [sflag:s17], $0xC800  }
0x248: {  	[sflag:s17] =	ssyncset.done $0x0  }
0x249: {  	s25 =	sadd.s32 $0x27100, s23;
	[sflag:s17] =	ssyncadd.s32 $0xFFFF3800  }
0x24a: {  	[hbm4b:s25+s3] =	stream.linear.scatter [tilespmem:s16], [sflag:$0x4], $0xC800, $0x38;
	[tilespmem:$0x1C608] =	vst v63  }
0x24b: {  	s26 =	rddreg [dreg:$0x1e]  }
0x24c: {  	[tilespmem:s14], [sflag:$0x3] =	stream.indirect.gather [spmem:s2], $0x80, s26, s13, $0xb8;
	[tilespmem:$0x1C608] =	vst v63  }
0x24d: {  	_ =	swait.ge [sflag:s15], $0xC800  }
0x24e: {  	[sflag:s15] =	ssyncset.done $0x0  }
0x24f: {  	[sflag:s15] =	ssyncadd.s32 $0xFFFF3800  }
0x250: {  	_ =	swait.ge [sflag:s17], $0xC800  }
0x251: {  	[sflag:s17] =	ssyncset.done $0x0  }
0x252: {  	s28 =	sadd.s32 $0x28A00, s23;
	[sflag:s17] =	ssyncadd.s32 $0xFFFF3800  }
0x253: {  	[hbm4b:s28+s3] =	stream.linear.scatter [tilespmem:s14], [sflag:$0x4], $0xC800, $0x38;
	[tilespmem:$0x1C608] =	vst v63  }
0x254: {  	s29 =	rddreg [dreg:$0x1f]  }
0x255: {  	[tilespmem:s16], [sflag:$0x3] =	stream.indirect.gather [spmem:s2], $0x80, s29, s13, $0xb8;
	[tilespmem:$0x1C608] =	vst v63  }
0x256: {  	_ =	swait.ge [sflag:s15], $0xC800  }
0x257: {  	[sflag:s15] =	ssyncset.done $0x0  }
0x258: {  	[sflag:s15] =	ssyncadd.s32 $0xFFFF3800  }
0x259: {  	_ =	swait.ge [sflag:s17], $0xC800  }
0x25a: {  	[sflag:s17] =	ssyncset.done $0x0  }
0x25b: {  	s30 =	sadd.s32 $0x2A300, s23;
	s31 =	sld [smem:$0x7FA];
	[sflag:s17] =	ssyncadd.s32 $0xFFFF3800  }
0x25c: {  	[hbm4b:s30+s3] =	stream.linear.scatter [tilespmem:s16], [sflag:$0x4], $0xC800, $0x38;
	[tilespmem:$0x1C608] =	vst v63  }
0x25d: {  	_ = 	snop  }
0x25e: {  	[tilespmem:s14], [sflag:$0x3] =	stream.indirect.gather [spmem:s2], $0x80, s31, s13, $0xb8;
	[tilespmem:$0x1C608] =	vst v63  }
0x25f: {  	_ =	swait.ge [sflag:s15], $0xC800  }
0x260: {  	[sflag:s15] =	ssyncset.done $0x0  }
0x261: {  	[sflag:s15] =	ssyncadd.s32 $0xFFFF3800  }
0x262: {  	_ =	swait.ge [sflag:s17], $0xC800  }
0x263: {  	[sflag:s17] =	ssyncset.done $0x0  }
0x264: {  	s25 =	sadd.s32 $0x2BC00, s23;
	s26 =	sld [smem:$0x7FB];
	[sflag:s17] =	ssyncadd.s32 $0xFFFF3800  }
0x265: {  	[hbm4b:s25+s3] =	stream.linear.scatter [tilespmem:s14], [sflag:$0x4], $0xC800, $0x38;
	[tilespmem:$0x1C608] =	vst v63  }
0x266: {  	_ = 	snop  }
0x267: {  	[tilespmem:s16], [sflag:$0x3] =	stream.indirect.gather [spmem:s2], $0x80, s26, s13, $0xb8;
	[tilespmem:$0x1C608] =	vst v63  }
0x268: {  	_ =	swait.ge [sflag:s15], $0xC800  }
0x269: {  	[sflag:s15] =	ssyncset.done $0x0  }
0x26a: {  	[sflag:s15] =	ssyncadd.s32 $0xFFFF3800  }
0x26b: {  	_ =	swait.ge [sflag:s17], $0xC800  }
0x26c: {  	[sflag:s17] =	ssyncset.done $0x0  }
0x26d: {  	s28 =	sadd.s32 $0x2D500, s23;
	s29 =	sld [smem:$0x7FC];
	[sflag:s17] =	ssyncadd.s32 $0xFFFF3800  }
0x26e: {  	[hbm4b:s28+s3] =	stream.linear.scatter [tilespmem:s16], [sflag:$0x4], $0xC800, $0x38;
	[tilespmem:$0x1C608] =	vst v63  }
0x26f: {  	_ = 	snop  }
0x270: {  	[tilespmem:s14], [sflag:$0x3] =	stream.indirect.gather [spmem:s2], $0x80, s29, s13, $0xb8;
	[tilespmem:$0x1C608] =	vst v63  }
0x271: {  	_ =	swait.ge [sflag:s15], $0xC800  }
0x272: {  	[sflag:s15] =	ssyncset.done $0x0  }
0x273: {  	[sflag:s15] =	ssyncadd.s32 $0xFFFF3800  }
0x274: {  	_ =	swait.ge [sflag:s17], $0xC800  }
0x275: {  	s20 =	sadd.s32 $0x32000, s20;
	[sflag:s17] =	ssyncset.done $0x0  }
0x276: {  	s30 =	sadd.s32 $0x2EE00, s23;
	s31 =	sld [smem:$0x7FD];
	[sflag:s17] =	ssyncadd.s32 $0xFFFF3800  }
0x277: {  	[hbm4b:s30+s3] =	stream.linear.scatter [tilespmem:s14], [sflag:$0x4], $0xC800, $0x38;
	[tilespmem:$0x1C608] =	vst v63  }
0x278: {  	p1 =	sne.s32 s20, $0x190000  }
0x279: {  	[tilespmem:s16], [sflag:$0x3] =	stream.indirect.gather [spmem:s2], $0x80, s31, s13, $0xb8;
	[tilespmem:$0x1C608] =	vst v63  }
.Ltmp0:
0x27a: {  	_ =	swait.ge [sflag:s15], $0xC800;
	(pc) =	sbr.rel @p1 .LBB2_2-.Ltmp0, $4  }
0x27b: {  	[sflag:s15] =	ssyncset.done $0x0  }
0x27c: {  	[sflag:s15] =	ssyncadd.s32 $0xFFFF3800  }
0x27d: {  	_ =	swait.ge [sflag:s17], $0xC800  }
0x27e: {  	s21 =	sadd.s32 $0x640, s21;
	s23 =	sadd.s32 $0x30700, s23;
	[sflag:s17] =	ssyncset.done $0x0  }
0x27f: {  	s19 =	sadd.s32 $0x1, s19  }
0x280: {  	p1 =	sne.s32 s19, s6  }
.Ltmp1:
0x281: {  	[sflag:s17] =	ssyncadd.s32 $0xFFFF3800;
	(pc) =	sbr.rel @p1 .LBB2_1-.Ltmp1, $4  }
0x282: {  	[hbm4b:s23+s3] =	stream.linear.scatter [tilespmem:s16], [sflag:$0x4], $0xC800, $0x38;
	[tilespmem:$0x1C608] =	vst v63  }
0x283: {  	_ =	swait.ge [sflag:s17], $0xC800  }
0x284: {  	[sflag:s17] =	ssyncset.done $0x0  }
0x285: {  	[sflag:s17] =	ssyncadd.s32 $0xFFFF3800  }
0x286: {  	_ =	sfence.sel $0x180000  }
0x287: {  	[bflag:$0x0] =	sbarrier.arrive $0xFFFF  }
0x288: {  	_ =	strace $0x90000047  }
0x289: {  	s0 =	sadd.s32 @!p0 $0x100000, s1;
	[bflag:$0x2] =	sbarrier.arrive $0xFFFF  }
0x28a: {  	[sflag:s0] =	ssyncadd.tile.s32 @!p0 $0x1;
	_ =	shalt  }
.Lfunc_end2:
_tile_overlayer_lowered:
.L_overlay_start_2:
0x28b: {  	(tag) =	ssettag $0x2  }
0x28c: {  	s0 =	rddreg [dreg:$0x0];
	s2 =	stileid.u32  }
0x28d: {  	s1 =	rddreg [dreg:$0x1];
	p0 =	sne.s32 s2, $0x0  }
0x28e: {  	s3 =	rddreg [dreg:$0x2];
	[bflag:$0x3] =	sbarrier.arrive $0xFFFF;
	s2 =	simm.s32 @!p0 $0x1C05  }
0x28f: {  	[timem:s3], [sflag:s2] =	dma.local @!p0 [hbm:s0], s1  }
0x290: {  	s0 =	simm.s32 @!p0 $0x5  }
0x291: {  	_ =	swait.ge @!p0 [sflag:s0], s1  }
0x292: {  	s1 =	ssub.s32 @!p0 $0x0, s1;
	[sflag:s0] =	ssyncset.done @!p0 $0x0  }
0x293: {  	[sflag:s0] =	ssyncadd.s32 @!p0 s1  }
0x294: {  	[bflag:$0x3] =	sbarrier.arrive $0xFFFF  }
0x295: {  	_ =	shalt  }

</sc_bundles>
